<compile_context>
chip_gen: v7x
topology: tpu7x:2x2x1
jax: 0.10.2.dev20260603
libtpu: 0.0.44.dev20260713+nightly
codegen_flags: <defaults>
</compile_context>

<pallas_src>
import functools

import jax
import jax.numpy as jnp
from jax import lax
from jax.experimental import pallas as pl
from jax.experimental.pallas import tpu as pltpu
from jax.experimental.pallas import tpu_sc as plsc

NN = 10000
NE = 320000
ND = 128
HD = 128
NC = 2
NS = 16
NW = NC * NS
EPW = 10240
NEP = NW * EPW
C = 32
NCH = EPW // C
IPR = 128 // C
NQ = NN + 16
QOFF = 10240
TROWS = 2 * QOFF
OWN = 624
TAIL = NN - NS * OWN
ZTAIL = NQ - NS * OWN
VPR = HD // 16



def _pre_body(x_ref, e_ref, s_ref, d_ref, ws_ref, wd_ref, we_ref, b1_ref,
              t_ref, ep_ref, pk_ref):
    i = pl.program_id(0)
    w = jnp.where(i < QOFF // 640, ws_ref[...], wd_ref[...])
    t_ref[...] = jnp.dot(x_ref[...], w, preferred_element_type=jnp.float32)

    b1 = b1_ref[0:1, :]
    ep_ref[pl.ds(0, NE // NW), :] = (
        jnp.dot(e_ref[...], we_ref[...], preferred_element_type=jnp.float32)
        + b1
    )
    ep_ref[pl.ds(NE // NW, EPW - NE // NW), :] = jnp.broadcast_to(
        b1, (EPW - NE // NW, HD)
    )

    pk_ref[0, 0:1, pl.ds(0, NE // NW)] = (s_ref[0, 0] << 16) | d_ref[0, 0]
    pk_ref[0, 0:1, pl.ds(NE // NW, EPW - NE // NW)] = jnp.full(
        (1, EPW - NE // NW), NN, jnp.int32
    )


_pre = pl.pallas_call(
    _pre_body,
    grid=(NW,),
    in_specs=[
        pl.BlockSpec((TROWS // NW, ND), lambda i: (i % (NW // 2), 0)),
        pl.BlockSpec((NE // NW, 16), lambda i: (i, 0)),
        pl.BlockSpec((1, 1, 1, NE // NW), lambda i: (0, i, 0, 0)),
        pl.BlockSpec((1, 1, 1, NE // NW), lambda i: (1, i, 0, 0)),
        pl.BlockSpec((ND, HD), lambda i: (0, 0)),
        pl.BlockSpec((ND, HD), lambda i: (0, 0)),
        pl.BlockSpec((16, HD), lambda i: (0, 0)),
        pl.BlockSpec((8, HD), lambda i: (0, 0)),
    ],
    out_specs=[
        pl.BlockSpec((TROWS // NW, HD), lambda i: (i, 0)),
        pl.BlockSpec((EPW, HD), lambda i: (i, 0)),
        pl.BlockSpec((1, 1, EPW), lambda i: (i, 0, 0)),
    ],
    out_shape=[
        jax.ShapeDtypeStruct((TROWS, HD), jnp.float32),
        jax.ShapeDtypeStruct((NEP, HD), jnp.float32),
        jax.ShapeDtypeStruct((NW, 1, EPW), jnp.int32),
    ],
)


def _out_body(x_ref, a0_ref, a1_ref, wx_ref, wa_ref, b2_ref, o_ref):
    acc = jnp.dot(x_ref[...], wx_ref[...], preferred_element_type=jnp.float32)
    acc = acc + jnp.dot(
        a0_ref[...] + a1_ref[...], wa_ref[...],
        preferred_element_type=jnp.float32,
    )
    o_ref[...] = jnp.maximum(acc + b2_ref[0:1, :], 0.0)


_outk = pl.pallas_call(
    _out_body,
    grid=(10,),
    in_specs=[
        pl.BlockSpec((1000, ND), lambda i: (i, 0)),
        pl.BlockSpec((1000, HD), lambda i: (i, 0)),
        pl.BlockSpec((1000, HD), lambda i: (i + NN // 1000, 0)),
        pl.BlockSpec((ND, ND), lambda i: (0, 0)),
        pl.BlockSpec((HD, ND), lambda i: (0, 0)),
        pl.BlockSpec((8, ND), lambda i: (0, 0)),
    ],
    out_specs=pl.BlockSpec((1000, ND), lambda i: (i, 0)),
    out_shape=jax.ShapeDtypeStruct((NN, ND), jnp.float32),
)



def _sc_body(t_hbm, e_hbm, pidx_hbm, out_hbm,
             pidx, sidx, didx, bpq, bufe, bufm, agg_sh,
             sem_l0, sem_l1, sem_w0, sem_w1):
    cid = lax.axis_index("c")
    sid = lax.axis_index("s")
    wid = sid * NC + cid

    zero = jnp.zeros((16,), jnp.float32)

    def zrow(r, carry):
        for j in range(VPR):
            bufm[0, r, pl.ds(j * 16, 16)] = zero
        return carry

    lax.fori_loop(0, C, zrow, 0)

    def zcopy(k, carry):
        pltpu.sync_copy(bufm.at[0], agg_sh.at[pl.ds(sid * OWN + k * C, C)])
        return carry

    lax.fori_loop(0, OWN // C, zcopy, 0)
    pltpu.sync_copy(
        bufm.at[0, pl.ds(0, OWN % C)],
        agg_sh.at[pl.ds(sid * OWN + (OWN // C) * C, OWN % C)],
    )

    @pl.when(sid == NS - 1)
    def _():
        pltpu.sync_copy(
            bufm.at[0, pl.ds(0, ZTAIL)], agg_sh.at[pl.ds(NS * OWN, ZTAIL)]
        )

    pltpu.sync_copy(pidx_hbm.at[wid], pidx.at[pl.ds(0, EPW // 128)])

    plsc.subcore_barrier()

    def unpack_idx(c):
        ss = lax.rem(c, 2)
        sd = lax.rem(c, 4)
        r = c // IPR
        h = c % IPR
        for j in range(C // 16):
            w = pidx[r, pl.ds(h * C + j * 16, 16)]
            d = w & 0xFFFF
            sidx[ss, pl.ds(j * 16, 16)] = w >> 16
            sidx[ss, pl.ds(C + j * 16, 16)] = d + QOFF
            didx[sd, pl.ds(j * 16, 16)] = d

    def issue(c, st):
        sem = (sem_l0, sem_l1)[st]
        pltpu.async_copy(t_hbm.at[sidx.at[st]], bpq.at[st], sem)
        pltpu.async_copy(e_hbm.at[pl.ds(wid * EPW + c * C, C)],
                         bufe.at[st], sem)

    def wait_loads(c, st):
        sem = (sem_l0, sem_l1)[st]
        pltpu.make_async_copy(t_hbm.at[sidx.at[st]], bpq.at[st], sem).wait()
        pltpu.make_async_copy(e_hbm.at[pl.ds(wid * EPW + c * C, C)],
                              bufe.at[st], sem).wait()

    def process(c, carry):
        st = lax.rem(c, 2)
        st4 = lax.rem(c, 4)
        unpack_idx(c + 1)

        @pl.when(jnp.logical_and(c + 1 < NCH, st == 0))
        def _():
            issue(c + 1, 1)

        @pl.when(jnp.logical_and(c + 1 < NCH, st == 1))
        def _():
            issue(c + 1, 0)

        @pl.when(st == 0)
        def _():
            wait_loads(c, 0)

            @pl.when(c > 1)
            def _():
                pltpu.make_async_copy(
                    bufm.at[0], agg_sh.at[didx.at[st4]], sem_w0
                ).wait()

        @pl.when(st == 1)
        def _():
            wait_loads(c, 1)

            @pl.when(c > 1)
            def _():
                pltpu.make_async_copy(
                    bufm.at[1], agg_sh.at[didx.at[st4]], sem_w1
                ).wait()

        @plsc.parallel_loop(0, C, unroll=16)
        def _(rr):
            for j in range(VPR):
                s = pl.ds(j * 16, 16)
                v = bpq[st, rr, s] + bpq[st, C + rr, s] + bufe[st, rr, s]
                bufm[st, rr, s] = jnp.maximum(v, 0.0)

        @pl.when(st == 0)
        def _():
            pltpu.async_copy(bufm.at[0], agg_sh.at[didx.at[st4]], sem_w0,
                             add=True)

        @pl.when(st == 1)
        def _():
            pltpu.async_copy(bufm.at[1], agg_sh.at[didx.at[st4]], sem_w1,
                             add=True)

        return carry

    unpack_idx(0)
    issue(0, 0)

    lax.fori_loop(0, NCH, process, 0)

    pltpu.make_async_copy(bufm.at[0], agg_sh.at[didx.at[0]], sem_w0).wait()
    pltpu.make_async_copy(bufm.at[1], agg_sh.at[didx.at[1]], sem_w1).wait()

    plsc.subcore_barrier()

    pltpu.sync_copy(
        agg_sh.at[pl.ds(sid * OWN, OWN)],
        out_hbm.at[pl.ds(cid * NN + sid * OWN, OWN)],
    )

    @pl.when(sid == NS - 1)
    def _():
        pltpu.sync_copy(
            agg_sh.at[pl.ds(NS * OWN, TAIL)],
            out_hbm.at[pl.ds(cid * NN + NS * OWN, TAIL)],
        )


_sc_agg = functools.partial(
    pl.kernel,
    out_type=jax.ShapeDtypeStruct((NC * NN, HD), jnp.float32),
    mesh=plsc.VectorSubcoreMesh(core_axis_name="c", subcore_axis_name="s"),
    scratch_types=[
        pltpu.VMEM((EPW // 128 + 8, 128), jnp.int32),
        pltpu.VMEM((2, 2 * C), jnp.int32),
        pltpu.VMEM((4, C), jnp.int32),
        pltpu.VMEM((2, 2 * C, HD), jnp.float32),
        pltpu.VMEM((2, C, HD), jnp.float32),
        pltpu.VMEM((2, C, HD), jnp.float32),
        pltpu.VMEM_SHARED((NQ, HD), jnp.float32),
        pltpu.SemaphoreType.DMA,
        pltpu.SemaphoreType.DMA,
        pltpu.SemaphoreType.DMA,
        pltpu.SemaphoreType.DMA,
    ],
)(_sc_body)



def kernel(node_features, edge_features, edge_index, W1, b1, W2, b2):
    w1s = W1[:ND]
    w1d = W1[ND:2 * ND]
    w1e = W1[2 * ND:]
    w2x = W2[:ND]
    w2a = W2[ND:]
    b1t = jnp.broadcast_to(b1[None, :], (8, HD))
    b2t = jnp.broadcast_to(b2[None, :], (8, ND))

    ei4 = edge_index.reshape(2, NW, 1, NE // NW)
    t, ep, pk = _pre(node_features, edge_features, ei4, ei4,
                     w1s, w1d, w1e, b1t)
    pidx = pk.reshape(NW, EPW // 128, 128)

    aggs = _sc_agg(t, ep, pidx)
    return _outk(node_features, aggs, aggs, w2x, w2a, b2t)

# --- scband reference (transcript-rebuilt; emitter-appended) ---
"""Pipeline reference for scband-message-passing-layer-5592047419868 (READ-ONLY COPY).

The authoritative reference and input builder live on the scoring server;
editing this copy changes nothing except your own understanding.
"""

import jax, jax.numpy as jnp
import numpy as np

N_NODES = 10000
N_EDGES = 320000
NODE_DIM = 128
EDGE_DIM = 16
HIDDEN_DIM = 128


def setup_inputs(seed: int = 0) -> dict:
    key = jax.random.key(seed)
    ks = jax.random.split(key, 8)
    node_features = jax.random.normal(ks[0], (N_NODES, NODE_DIM), dtype=jnp.float32)
    edge_features = jax.random.normal(ks[1], (N_EDGES, EDGE_DIM), dtype=jnp.float32)
    edge_index = jax.random.randint(ks[2], (2, N_EDGES), 0, N_NODES, dtype=jnp.int32)
    # message MLP: input = [x_src, x_dst, e] -> hidden
    W1 = jax.random.normal(ks[3], (2 * NODE_DIM + EDGE_DIM, HIDDEN_DIM), dtype=jnp.float32) * 0.05
    b1 = jnp.zeros((HIDDEN_DIM,), dtype=jnp.float32)
    # update MLP: input = [x, agg] -> node_dim
    W2 = jax.random.normal(ks[4], (NODE_DIM + HIDDEN_DIM, NODE_DIM), dtype=jnp.float32) * 0.05
    b2 = jnp.zeros((NODE_DIM,), dtype=jnp.float32)
    return {
        "node_features": node_features,
        "edge_features": edge_features,
        "edge_index": edge_index,
        "W1": W1,
        "b1": b1,
        "W2": W2,
        "b2": b2,
    }


def reference(node_features, edge_features, edge_index, W1, b1, W2, b2):
    src = edge_index[0]
    dst = edge_index[1]
    # 1. message computation on edges (gather src/dst node features)
    x_src = jnp.take(node_features, src, axis=0)
    x_dst = jnp.take(node_features, dst, axis=0)
    msg_in = jnp.concatenate([x_src, x_dst, edge_features], axis=-1)
    messages = jax.nn.relu(msg_in @ W1 + b1)
    # 2. message aggregation at destination nodes (scatter-add)
    agg = jax.ops.segment_sum(messages, dst, num_segments=N_NODES)
    # 3. node update
    upd_in = jnp.concatenate([node_features, agg], axis=-1)
    out = jax.nn.relu(upd_in @ W2 + b2)
    return out

if __name__ == "__main__":
    import jax
    _d = setup_inputs()
    print(jax.jit(kernel)(*tuple(_d.values())))

</pallas_src>

<mosaic_0001>
#map = affine_map<(d0, d1) -> (0, 0)>
#map1 = affine_map<(d0, d1) -> (0, 0, 0)>
module attributes {stable_mosaic.version = 14 : i64} {
  func.func @_sc_body(%arg0: i32, %arg1: i32, %arg2: memref<20480x128xf32, #tpu.memory_space<hbm>>, %arg3: memref<327680x128xf32, #tpu.memory_space<hbm>>, %arg4: memref<32x80x128xi32, #tpu.memory_space<hbm>>, %arg5: memref<20000x128xf32, #tpu.memory_space<hbm>>, %arg6: memref<88x128xi32, #tpu.memory_space<vmem>>, %arg7: memref<2x64xi32, #tpu.memory_space<vmem>>, %arg8: memref<4x32xi32, #tpu.memory_space<vmem>>, %arg9: memref<2x64x128xf32, #tpu.memory_space<vmem>>, %arg10: memref<2x32x128xf32, #tpu.memory_space<vmem>>, %arg11: memref<2x32x128xf32, #tpu.memory_space<vmem>>, %arg12: memref<10016x128xf32, #tpu.memory_space<vmem_shared>>, %arg13: memref<!tpu.dma_semaphore, #tpu.memory_space<semaphore_mem>>, %arg14: memref<!tpu.dma_semaphore, #tpu.memory_space<semaphore_mem>>, %arg15: memref<!tpu.dma_semaphore, #tpu.memory_space<semaphore_mem>>, %arg16: memref<!tpu.dma_semaphore, #tpu.memory_space<semaphore_mem>>) attributes {dimension_semantics = [#tpu.dimension_semantics<core_parallel>, #tpu.dimension_semantics<subcore_parallel>], iteration_bounds = array<i64: 2, 16>, scalar_prefetch = 0 : i64, scratch_operands = 11 : i64, tpu.core_type = #tpu.core_type<sc_vector_subcore>, window_params = [{transform_indices = #map}, {transform_indices = #map}, {transform_indices = #map1}, {transform_indices = #map}]} {
    %mul3A = arith.constant 2 : i32
    %mul3A_0 = arith.muli %arg1, %mul3A : i32
    %add3A = arith.addi %mul3A_0, %arg0 : i32
    %broadcast_in_dim3A = arith.constant 0.000000e+00 : f32
    %broadcast_in_dim3A_1 = vector.broadcast %broadcast_in_dim3A : f32 to vector<16xf32>
    %scan3A = arith.constant 0 : i32
    %scan3A_2 = arith.constant 0 : i32
    %scan3A_3 = arith.constant 32 : i32
    %scan3A_4 = arith.addi %scan3A_2, %scan3A_3 : i32
    %scan3A_5 = arith.constant 1 : i32
    scf.for %scan3A_148 = %scan3A_2 to %scan3A_4 step %scan3A_5  : i32 {
      %swap3A_149 = arith.constant 0 : i32
      %swap3A_150 = arith.index_cast %swap3A_149 : i32 to index
      %swap3A_151 = arith.index_cast %scan3A_148 : i32 to index
      %swap3A_152 = arith.constant 0 : index
      %swap3A_153 = tpu.vector_load %arg11[%swap3A_150, %swap3A_151, %swap3A_152] {strides = array<i32>} : memref<2x32x128xf32, #tpu.memory_space<vmem>>, vector<1x1x16xf32>,
      %swap3A_154 = vector.shape_cast %swap3A_153 : vector<1x1x16xf32> to vector<16xf32>
      %swap3A_155 = vector.shape_cast %broadcast_in_dim3A_1 : vector<16xf32> to vector<1x1x16xf32>
      tpu.vector_store %arg11[%swap3A_150, %swap3A_151, %swap3A_152], %swap3A_155 {strides = array<i32>} : memref<2x32x128xf32, #tpu.memory_space<vmem>>, vector<1x1x16xf32>,
      %swap3A_156 = arith.constant 0 : i32
      %swap3A_157 = arith.index_cast %swap3A_156 : i32 to index
      %swap3A_158 = arith.index_cast %scan3A_148 : i32 to index
      %swap3A_159 = arith.constant 16 : index
      %swap3A_160 = tpu.vector_load %arg11[%swap3A_157, %swap3A_158, %swap3A_159] {strides = array<i32>} : memref<2x32x128xf32, #tpu.memory_space<vmem>>, vector<1x1x16xf32>,
      %swap3A_161 = vector.shape_cast %swap3A_160 : vector<1x1x16xf32> to vector<16xf32>
      %swap3A_162 = vector.shape_cast %broadcast_in_dim3A_1 : vector<16xf32> to vector<1x1x16xf32>
      tpu.vector_store %arg11[%swap3A_157, %swap3A_158, %swap3A_159], %swap3A_162 {strides = array<i32>} : memref<2x32x128xf32, #tpu.memory_space<vmem>>, vector<1x1x16xf32>,
      %swap3A_163 = arith.constant 0 : i32
      %swap3A_164 = arith.index_cast %swap3A_163 : i32 to index
      %swap3A_165 = arith.index_cast %scan3A_148 : i32 to index
      %swap3A_166 = arith.constant 32 : index
      %swap3A_167 = tpu.vector_load %arg11[%swap3A_164, %swap3A_165, %swap3A_166] {strides = array<i32>} : memref<2x32x128xf32, #tpu.memory_space<vmem>>, vector<1x1x16xf32>,
      %swap3A_168 = vector.shape_cast %swap3A_167 : vector<1x1x16xf32> to vector<16xf32>
      %swap3A_169 = vector.shape_cast %broadcast_in_dim3A_1 : vector<16xf32> to vector<1x1x16xf32>
      tpu.vector_store %arg11[%swap3A_164, %swap3A_165, %swap3A_166], %swap3A_169 {strides = array<i32>} : memref<2x32x128xf32, #tpu.memory_space<vmem>>, vector<1x1x16xf32>,
      %swap3A_170 = arith.constant 0 : i32
      %swap3A_171 = arith.index_cast %swap3A_170 : i32 to index
      %swap3A_172 = arith.index_cast %scan3A_148 : i32 to index
      %swap3A_173 = arith.constant 48 : index
      %swap3A_174 = tpu.vector_load %arg11[%swap3A_171, %swap3A_172, %swap3A_173] {strides = array<i32>} : memref<2x32x128xf32, #tpu.memory_space<vmem>>, vector<1x1x16xf32>,
      %swap3A_175 = vector.shape_cast %swap3A_174 : vector<1x1x16xf32> to vector<16xf32>
      %swap3A_176 = vector.shape_cast %broadcast_in_dim3A_1 : vector<16xf32> to vector<1x1x16xf32>
      tpu.vector_store %arg11[%swap3A_171, %swap3A_172, %swap3A_173], %swap3A_176 {strides = array<i32>} : memref<2x32x128xf32, #tpu.memory_space<vmem>>, vector<1x1x16xf32>,
      %swap3A_177 = arith.constant 0 : i32
      %swap3A_178 = arith.index_cast %swap3A_177 : i32 to index
      %swap3A_179 = arith.index_cast %scan3A_148 : i32 to index
      %swap3A_180 = arith.constant 64 : index
      %swap3A_181 = tpu.vector_load %arg11[%swap3A_178, %swap3A_179, %swap3A_180] {strides = array<i32>} : memref<2x32x128xf32, #tpu.memory_space<vmem>>, vector<1x1x16xf32>,
      %swap3A_182 = vector.shape_cast %swap3A_181 : vector<1x1x16xf32> to vector<16xf32>
      %swap3A_183 = vector.shape_cast %broadcast_in_dim3A_1 : vector<16xf32> to vector<1x1x16xf32>
      tpu.vector_store %arg11[%swap3A_178, %swap3A_179, %swap3A_180], %swap3A_183 {strides = array<i32>} : memref<2x32x128xf32, #tpu.memory_space<vmem>>, vector<1x1x16xf32>,
      %swap3A_184 = arith.constant 0 : i32
      %swap3A_185 = arith.index_cast %swap3A_184 : i32 to index
      %swap3A_186 = arith.index_cast %scan3A_148 : i32 to index
      %swap3A_187 = arith.constant 80 : index
      %swap3A_188 = tpu.vector_load %arg11[%swap3A_185, %swap3A_186, %swap3A_187] {strides = array<i32>} : memref<2x32x128xf32, #tpu.memory_space<vmem>>, vector<1x1x16xf32>,
      %swap3A_189 = vector.shape_cast %swap3A_188 : vector<1x1x16xf32> to vector<16xf32>
      %swap3A_190 = vector.shape_cast %broadcast_in_dim3A_1 : vector<16xf32> to vector<1x1x16xf32>
      tpu.vector_store %arg11[%swap3A_185, %swap3A_186, %swap3A_187], %swap3A_190 {strides = array<i32>} : memref<2x32x128xf32, #tpu.memory_space<vmem>>, vector<1x1x16xf32>,
      %swap3A_191 = arith.constant 0 : i32
      %swap3A_192 = arith.index_cast %swap3A_191 : i32 to index
      %swap3A_193 = arith.index_cast %scan3A_148 : i32 to index
      %swap3A_194 = arith.constant 96 : index
      %swap3A_195 = tpu.vector_load %arg11[%swap3A_192, %swap3A_193, %swap3A_194] {strides = array<i32>} : memref<2x32x128xf32, #tpu.memory_space<vmem>>, vector<1x1x16xf32>,
      %swap3A_196 = vector.shape_cast %swap3A_195 : vector<1x1x16xf32> to vector<16xf32>
      %swap3A_197 = vector.shape_cast %broadcast_in_dim3A_1 : vector<16xf32> to vector<1x1x16xf32>
      tpu.vector_store %arg11[%swap3A_192, %swap3A_193, %swap3A_194], %swap3A_197 {strides = array<i32>} : memref<2x32x128xf32, #tpu.memory_space<vmem>>, vector<1x1x16xf32>,
      %swap3A_198 = arith.constant 0 : i32
      %swap3A_199 = arith.index_cast %swap3A_198 : i32 to index
      %swap3A_200 = arith.index_cast %scan3A_148 : i32 to index
      %swap3A_201 = arith.constant 112 : index
      %swap3A_202 = tpu.vector_load %arg11[%swap3A_199, %swap3A_200, %swap3A_201] {strides = array<i32>} : memref<2x32x128xf32, #tpu.memory_space<vmem>>, vector<1x1x16xf32>,
      %swap3A_203 = vector.shape_cast %swap3A_202 : vector<1x1x16xf32> to vector<16xf32>
      %swap3A_204 = vector.shape_cast %broadcast_in_dim3A_1 : vector<16xf32> to vector<1x1x16xf32>
      tpu.vector_store %arg11[%swap3A_199, %swap3A_200, %swap3A_201], %swap3A_204 {strides = array<i32>} : memref<2x32x128xf32, #tpu.memory_space<vmem>>, vector<1x1x16xf32>,
    }
    %scan3A_6 = arith.constant 32 : i32
    %scan3A_7 = arith.constant 0 : i32
    %scan3A_8 = arith.constant 0 : i32
    %scan3A_9 = arith.constant 19 : i32
    %scan3A_10 = arith.addi %scan3A_8, %scan3A_9 : i32
    %scan3A_11 = arith.constant 1 : i32
    scf.for %scan3A_148 = %scan3A_8 to %scan3A_10 step %scan3A_11  : i32 {
      %mul3A_149 = arith.constant 624 : i32
      %mul3A_150 = arith.muli %arg1, %mul3A_149 : i32
      %mul3A_151 = arith.constant 32 : i32
      %mul3A_152 = arith.muli %scan3A_148, %mul3A_151 : i32
      %add3A_153 = arith.addi %mul3A_150, %mul3A_152 : i32
      %run_scoped3A_154 = arith.constant 0 : i32
      "tpu.region"() ({
        %run_scoped3A_155 = tpu.sem_alloc : memref<!tpu.dma_semaphore, #tpu.memory_space<semaphore_mem>>
        %dma_start3A_156 = arith.constant 0 : i32
        %dma_start3A_157 = arith.constant 0 : i32
        %dma_start3A_158 = tpu.memref_slice %arg11[%run_scoped3A_154, %dma_start3A_156, %dma_start3A_157] : memref<2x32x128xf32, #tpu.memory_space<vmem>> -> memref<1x32x128xf32, #tpu.memory_space<vmem>>
        %dma_start3A_159 = tpu.memref_squeeze %dma_start3A_158 : memref<1x32x128xf32, #tpu.memory_space<vmem>> -> memref<32x128xf32, #tpu.memory_space<vmem>>
        %dma_start3A_160 = arith.constant 0 : i32
        %dma_start3A_161 = tpu.memref_slice %arg12[%add3A_153, %dma_start3A_160] : memref<10016x128xf32, #tpu.memory_space<vmem_shared>> -> memref<32x128xf32, #tpu.memory_space<vmem_shared>>
        %dma_start3A_162 = arith.constant 0 : i32
        %dma_start3A_163 = tpu.memref_slice %arg12[%add3A_153, %dma_start3A_162] : memref<10016x128xf32, #tpu.memory_space<vmem_shared>> -> memref<32x128xf32, #tpu.memory_space<vmem_shared>>
        %dma_start3A_164 = arith.constant 0 : i32
        %dma_start3A_165 = arith.constant 0 : i32
        %dma_start3A_166 = tpu.memref_slice %arg11[%run_scoped3A_154, %dma_start3A_164, %dma_start3A_165] : memref<2x32x128xf32, #tpu.memory_space<vmem>> -> memref<1x32x128xf32, #tpu.memory_space<vmem>>
        %dma_start3A_167 = tpu.memref_squeeze %dma_start3A_166 : memref<1x32x128xf32, #tpu.memory_space<vmem>> -> memref<32x128xf32, #tpu.memory_space<vmem>>
        tpu.enqueue_dma source(%dma_start3A_167 : memref<32x128xf32, #tpu.memory_space<vmem>>) target(%dma_start3A_163 : memref<32x128xf32, #tpu.memory_space<vmem_shared>>) target_semaphore(%run_scoped3A_155 : memref<!tpu.dma_semaphore, #tpu.memory_space<semaphore_mem>>)
        %dma_wait3A_168 = arith.constant 0 : i32
        %dma_wait3A_169 = arith.constant 0 : i32
        %dma_wait3A_170 = tpu.memref_slice %arg11[%run_scoped3A_154, %dma_wait3A_168, %dma_wait3A_169] : memref<2x32x128xf32, #tpu.memory_space<vmem>> -> memref<1x32x128xf32, #tpu.memory_space<vmem>>
        %dma_wait3A_171 = tpu.memref_squeeze %dma_wait3A_170 : memref<1x32x128xf32, #tpu.memory_space<vmem>> -> memref<32x128xf32, #tpu.memory_space<vmem>>
        %dma_wait3A_172 = arith.constant 0 : i32
        %dma_wait3A_173 = tpu.memref_slice %arg12[%add3A_153, %dma_wait3A_172] : memref<10016x128xf32, #tpu.memory_space<vmem_shared>> -> memref<32x128xf32, #tpu.memory_space<vmem_shared>>
        %dma_wait3A_174 = arith.constant 0 : i32
        %dma_wait3A_175 = tpu.memref_slice %arg12[%add3A_153, %dma_wait3A_174] : memref<10016x128xf32, #tpu.memory_space<vmem_shared>> -> memref<32x128xf32, #tpu.memory_space<vmem_shared>>
        %dma_wait3A_176 = arith.constant 0 : i32
        %dma_wait3A_177 = arith.constant 0 : i32
        %dma_wait3A_178 = tpu.memref_slice %arg11[%run_scoped3A_154, %dma_wait3A_176, %dma_wait3A_177] : memref<2x32x128xf32, #tpu.memory_space<vmem>> -> memref<1x32x128xf32, #tpu.memory_space<vmem>>
        %dma_wait3A_179 = tpu.memref_squeeze %dma_wait3A_178 : memref<1x32x128xf32, #tpu.memory_space<vmem>> -> memref<32x128xf32, #tpu.memory_space<vmem>>
        tpu.wait_dma2 semaphore(%run_scoped3A_155 : memref<!tpu.dma_semaphore, #tpu.memory_space<semaphore_mem>>) src(%dma_wait3A_179 : memref<32x128xf32, #tpu.memory_space<vmem>>) dst(%dma_wait3A_175 : memref<32x128xf32, #tpu.memory_space<vmem_shared>>)
        tpu.yield
      }) : () -> ()
    }
    %scan3A_12 = arith.constant 19 : i32
    %mul3A_13 = arith.constant 624 : i32
    %mul3A_14 = arith.muli %arg1, %mul3A_13 : i32
    %add3A_15 = arith.constant 608 : i32
    %add3A_16 = arith.addi %mul3A_14, %add3A_15 : i32
    %run_scoped3A = arith.constant 0 : i32
    "tpu.region"() ({
      %run_scoped3A_148 = tpu.sem_alloc : memref<!tpu.dma_semaphore, #tpu.memory_space<semaphore_mem>>
      %dma_start3A_149 = arith.constant 0 : i32
      %dma_start3A_150 = arith.constant 0 : i32
      %dma_start3A_151 = tpu.memref_slice %arg11[%run_scoped3A, %dma_start3A_149, %dma_start3A_150] : memref<2x32x128xf32, #tpu.memory_space<vmem>> -> memref<1x16x128xf32, #tpu.memory_space<vmem>>
      %dma_start3A_152 = tpu.memref_squeeze %dma_start3A_151 : memref<1x16x128xf32, #tpu.memory_space<vmem>> -> memref<16x128xf32, #tpu.memory_space<vmem>>
      %dma_start3A_153 = arith.constant 0 : i32
      %dma_start3A_154 = tpu.memref_slice %arg12[%add3A_16, %dma_start3A_153] : memref<10016x128xf32, #tpu.memory_space<vmem_shared>> -> memref<16x128xf32, #tpu.memory_space<vmem_shared>>
      %dma_start3A_155 = arith.constant 0 : i32
      %dma_start3A_156 = tpu.memref_slice %arg12[%add3A_16, %dma_start3A_155] : memref<10016x128xf32, #tpu.memory_space<vmem_shared>> -> memref<16x128xf32, #tpu.memory_space<vmem_shared>>
      %dma_start3A_157 = arith.constant 0 : i32
      %dma_start3A_158 = arith.constant 0 : i32
      %dma_start3A_159 = tpu.memref_slice %arg11[%run_scoped3A, %dma_start3A_157, %dma_start3A_158] : memref<2x32x128xf32, #tpu.memory_space<vmem>> -> memref<1x16x128xf32, #tpu.memory_space<vmem>>
      %dma_start3A_160 = tpu.memref_squeeze %dma_start3A_159 : memref<1x16x128xf32, #tpu.memory_space<vmem>> -> memref<16x128xf32, #tpu.memory_space<vmem>>
      tpu.enqueue_dma source(%dma_start3A_160 : memref<16x128xf32, #tpu.memory_space<vmem>>) target(%dma_start3A_156 : memref<16x128xf32, #tpu.memory_space<vmem_shared>>) target_semaphore(%run_scoped3A_148 : memref<!tpu.dma_semaphore, #tpu.memory_space<semaphore_mem>>)
      %dma_wait3A_161 = arith.constant 0 : i32
      %dma_wait3A_162 = arith.constant 0 : i32
      %dma_wait3A_163 = tpu.memref_slice %arg11[%run_scoped3A, %dma_wait3A_161, %dma_wait3A_162] : memref<2x32x128xf32, #tpu.memory_space<vmem>> -> memref<1x16x128xf32, #tpu.memory_space<vmem>>
      %dma_wait3A_164 = tpu.memref_squeeze %dma_wait3A_163 : memref<1x16x128xf32, #tpu.memory_space<vmem>> -> memref<16x128xf32, #tpu.memory_space<vmem>>
      %dma_wait3A_165 = arith.constant 0 : i32
      %dma_wait3A_166 = tpu.memref_slice %arg12[%add3A_16, %dma_wait3A_165] : memref<10016x128xf32, #tpu.memory_space<vmem_shared>> -> memref<16x128xf32, #tpu.memory_space<vmem_shared>>
      %dma_wait3A_167 = arith.constant 0 : i32
      %dma_wait3A_168 = tpu.memref_slice %arg12[%add3A_16, %dma_wait3A_167] : memref<10016x128xf32, #tpu.memory_space<vmem_shared>> -> memref<16x128xf32, #tpu.memory_space<vmem_shared>>
      %dma_wait3A_169 = arith.constant 0 : i32
      %dma_wait3A_170 = arith.constant 0 : i32
      %dma_wait3A_171 = tpu.memref_slice %arg11[%run_scoped3A, %dma_wait3A_169, %dma_wait3A_170] : memref<2x32x128xf32, #tpu.memory_space<vmem>> -> memref<1x16x128xf32, #tpu.memory_space<vmem>>
      %dma_wait3A_172 = tpu.memref_squeeze %dma_wait3A_171 : memref<1x16x128xf32, #tpu.memory_space<vmem>> -> memref<16x128xf32, #tpu.memory_space<vmem>>
      tpu.wait_dma2 semaphore(%run_scoped3A_148 : memref<!tpu.dma_semaphore, #tpu.memory_space<semaphore_mem>>) src(%dma_wait3A_172 : memref<16x128xf32, #tpu.memory_space<vmem>>) dst(%dma_wait3A_168 : memref<16x128xf32, #tpu.memory_space<vmem_shared>>)
      tpu.yield
    }) : () -> ()
    %eq3A = arith.constant 15 : i32
    %eq3A_17 = arith.cmpi eq, %arg1, %eq3A : i32
    %convert_element_type3A = arith.extui %eq3A_17 : i1 to i32
    %cond3A = arith.constant 0 : i32
    %cond3A_18 = arith.cmpi ne, %convert_element_type3A, %cond3A : i32
    scf.if %cond3A_18 {
      %run_scoped3A_148 = arith.constant 0 : i32
      "tpu.region"() ({
        %run_scoped3A_149 = tpu.sem_alloc : memref<!tpu.dma_semaphore, #tpu.memory_space<semaphore_mem>>
        %dma_start3A_150 = arith.constant 0 : i32
        %dma_start3A_151 = arith.constant 0 : i32
        %dma_start3A_152 = tpu.memref_slice %arg11[%run_scoped3A_148, %dma_start3A_150, %dma_start3A_151] : memref<2x32x128xf32, #tpu.memory_space<vmem>> -> memref<1x32x128xf32, #tpu.memory_space<vmem>>
        %dma_start3A_153 = tpu.memref_squeeze %dma_start3A_152 : memref<1x32x128xf32, #tpu.memory_space<vmem>> -> memref<32x128xf32, #tpu.memory_space<vmem>>
        %dma_start3A_154 = arith.constant 9984 : i32
        %dma_start3A_155 = arith.constant 0 : i32
        %dma_start3A_156 = tpu.memref_slice %arg12[%dma_start3A_154, %dma_start3A_155] : memref<10016x128xf32, #tpu.memory_space<vmem_shared>> -> memref<32x128xf32, #tpu.memory_space<vmem_shared>>
        %dma_start3A_157 = arith.constant 9984 : i32
        %dma_start3A_158 = arith.constant 0 : i32
        %dma_start3A_159 = tpu.memref_slice %arg12[%dma_start3A_157, %dma_start3A_158] : memref<10016x128xf32, #tpu.memory_space<vmem_shared>> -> memref<32x128xf32, #tpu.memory_space<vmem_shared>>
        %dma_start3A_160 = arith.constant 0 : i32
        %dma_start3A_161 = arith.constant 0 : i32
        %dma_start3A_162 = tpu.memref_slice %arg11[%run_scoped3A_148, %dma_start3A_160, %dma_start3A_161] : memref<2x32x128xf32, #tpu.memory_space<vmem>> -> memref<1x32x128xf32, #tpu.memory_space<vmem>>
        %dma_start3A_163 = tpu.memref_squeeze %dma_start3A_162 : memref<1x32x128xf32, #tpu.memory_space<vmem>> -> memref<32x128xf32, #tpu.memory_space<vmem>>
        tpu.enqueue_dma source(%dma_start3A_163 : memref<32x128xf32, #tpu.memory_space<vmem>>) target(%dma_start3A_159 : memref<32x128xf32, #tpu.memory_space<vmem_shared>>) target_semaphore(%run_scoped3A_149 : memref<!tpu.dma_semaphore, #tpu.memory_space<semaphore_mem>>)
        %dma_wait3A_164 = arith.constant 0 : i32
        %dma_wait3A_165 = arith.constant 0 : i32
        %dma_wait3A_166 = tpu.memref_slice %arg11[%run_scoped3A_148, %dma_wait3A_164, %dma_wait3A_165] : memref<2x32x128xf32, #tpu.memory_space<vmem>> -> memref<1x32x128xf32, #tpu.memory_space<vmem>>
        %dma_wait3A_167 = tpu.memref_squeeze %dma_wait3A_166 : memref<1x32x128xf32, #tpu.memory_space<vmem>> -> memref<32x128xf32, #tpu.memory_space<vmem>>
        %dma_wait3A_168 = arith.constant 9984 : i32
        %dma_wait3A_169 = arith.constant 0 : i32
        %dma_wait3A_170 = tpu.memref_slice %arg12[%dma_wait3A_168, %dma_wait3A_169] : memref<10016x128xf32, #tpu.memory_space<vmem_shared>> -> memref<32x128xf32, #tpu.memory_space<vmem_shared>>
        %dma_wait3A_171 = arith.constant 9984 : i32
        %dma_wait3A_172 = arith.constant 0 : i32
        %dma_wait3A_173 = tpu.memref_slice %arg12[%dma_wait3A_171, %dma_wait3A_172] : memref<10016x128xf32, #tpu.memory_space<vmem_shared>> -> memref<32x128xf32, #tpu.memory_space<vmem_shared>>
        %dma_wait3A_174 = arith.constant 0 : i32
        %dma_wait3A_175 = arith.constant 0 : i32
        %dma_wait3A_176 = tpu.memref_slice %arg11[%run_scoped3A_148, %dma_wait3A_174, %dma_wait3A_175] : memref<2x32x128xf32, #tpu.memory_space<vmem>> -> memref<1x32x128xf32, #tpu.memory_space<vmem>>
        %dma_wait3A_177 = tpu.memref_squeeze %dma_wait3A_176 : memref<1x32x128xf32, #tpu.memory_space<vmem>> -> memref<32x128xf32, #tpu.memory_space<vmem>>
        tpu.wait_dma2 semaphore(%run_scoped3A_149 : memref<!tpu.dma_semaphore, #tpu.memory_space<semaphore_mem>>) src(%dma_wait3A_177 : memref<32x128xf32, #tpu.memory_space<vmem>>) dst(%dma_wait3A_173 : memref<32x128xf32, #tpu.memory_space<vmem_shared>>)
        tpu.yield
      }) : () -> ()
    } else {
    }
    "tpu.region"() ({
      %run_scoped3A_148 = tpu.sem_alloc : memref<!tpu.dma_semaphore, #tpu.memory_space<semaphore_mem>>
      %dma_start3A_149 = arith.constant 0 : i32
      %dma_start3A_150 = arith.constant 0 : i32
      %dma_start3A_151 = tpu.memref_slice %arg6[%dma_start3A_149, %dma_start3A_150] : memref<88x128xi32, #tpu.memory_space<vmem>> -> memref<80x128xi32, #tpu.memory_space<vmem>>
      %dma_start3A_152 = arith.constant 0 : i32
      %dma_start3A_153 = arith.constant 0 : i32
      %dma_start3A_154 = tpu.memref_slice %arg4[%add3A, %dma_start3A_152, %dma_start3A_153] : memref<32x80x128xi32, #tpu.memory_space<hbm>> -> memref<1x80x128xi32, #tpu.memory_space<hbm>>
      %dma_start3A_155 = tpu.memref_squeeze %dma_start3A_154 : memref<1x80x128xi32, #tpu.memory_space<hbm>> -> memref<80x128xi32, #tpu.memory_space<hbm>>
      %dma_start3A_156 = arith.constant 0 : i32
      %dma_start3A_157 = arith.constant 0 : i32
      %dma_start3A_158 = tpu.memref_slice %arg6[%dma_start3A_156, %dma_start3A_157] : memref<88x128xi32, #tpu.memory_space<vmem>> -> memref<80x128xi32, #tpu.memory_space<vmem>>
      %dma_start3A_159 = arith.constant 0 : i32
      %dma_start3A_160 = arith.constant 0 : i32
      %dma_start3A_161 = tpu.memref_slice %arg4[%add3A, %dma_start3A_159, %dma_start3A_160] : memref<32x80x128xi32, #tpu.memory_space<hbm>> -> memref<1x80x128xi32, #tpu.memory_space<hbm>>
      %dma_start3A_162 = tpu.memref_squeeze %dma_start3A_161 : memref<1x80x128xi32, #tpu.memory_space<hbm>> -> memref<80x128xi32, #tpu.memory_space<hbm>>
      tpu.enqueue_dma source(%dma_start3A_162 : memref<80x128xi32, #tpu.memory_space<hbm>>) target(%dma_start3A_158 : memref<80x128xi32, #tpu.memory_space<vmem>>) target_semaphore(%run_scoped3A_148 : memref<!tpu.dma_semaphore, #tpu.memory_space<semaphore_mem>>)
      %dma_wait3A_163 = arith.constant 0 : i32
      %dma_wait3A_164 = arith.constant 0 : i32
      %dma_wait3A_165 = tpu.memref_slice %arg6[%dma_wait3A_163, %dma_wait3A_164] : memref<88x128xi32, #tpu.memory_space<vmem>> -> memref<80x128xi32, #tpu.memory_space<vmem>>
      %dma_wait3A_166 = arith.constant 0 : i32
      %dma_wait3A_167 = arith.constant 0 : i32
      %dma_wait3A_168 = tpu.memref_slice %arg4[%add3A, %dma_wait3A_166, %dma_wait3A_167] : memref<32x80x128xi32, #tpu.memory_space<hbm>> -> memref<1x80x128xi32, #tpu.memory_space<hbm>>
      %dma_wait3A_169 = tpu.memref_squeeze %dma_wait3A_168 : memref<1x80x128xi32, #tpu.memory_space<hbm>> -> memref<80x128xi32, #tpu.memory_space<hbm>>
      %dma_wait3A_170 = arith.constant 0 : i32
      %dma_wait3A_171 = arith.constant 0 : i32
      %dma_wait3A_172 = tpu.memref_slice %arg6[%dma_wait3A_170, %dma_wait3A_171] : memref<88x128xi32, #tpu.memory_space<vmem>> -> memref<80x128xi32, #tpu.memory_space<vmem>>
      %dma_wait3A_173 = arith.constant 0 : i32
      %dma_wait3A_174 = arith.constant 0 : i32
      %dma_wait3A_175 = tpu.memref_slice %arg4[%add3A, %dma_wait3A_173, %dma_wait3A_174] : memref<32x80x128xi32, #tpu.memory_space<hbm>> -> memref<1x80x128xi32, #tpu.memory_space<hbm>>
      %dma_wait3A_176 = tpu.memref_squeeze %dma_wait3A_175 : memref<1x80x128xi32, #tpu.memory_space<hbm>> -> memref<80x128xi32, #tpu.memory_space<hbm>>
      tpu.wait_dma2 semaphore(%run_scoped3A_148 : memref<!tpu.dma_semaphore, #tpu.memory_space<semaphore_mem>>) src(%dma_wait3A_176 : memref<80x128xi32, #tpu.memory_space<hbm>>) dst(%dma_wait3A_172 : memref<80x128xi32, #tpu.memory_space<vmem>>)
      tpu.yield
    }) : () -> ()
    %barrier3A = arith.constant 0 : index
    tpu.barrier barrier_id(%barrier3A)
    %rem3A = arith.constant 0 : i32
    %rem3A_19 = arith.constant 2 : i32
    %rem3A_20 = arith.remsi %rem3A, %rem3A_19 : i32
    %rem3A_21 = arith.constant 0 : i32
    %rem3A_22 = arith.constant 4 : i32
    %rem3A_23 = arith.remsi %rem3A_21, %rem3A_22 : i32
    %get3A = arith.constant 0 : i32
    %get3A_24 = arith.index_cast %get3A : i32 to index
    %get3A_25 = arith.constant 0 : index
    %get3A_26 = tpu.vector_load %arg6[%get3A_24, %get3A_25] {strides = array<i32>} : memref<88x128xi32, #tpu.memory_space<vmem>>, vector<1x16xi32>,
    %get3A_27 = vector.shape_cast %get3A_26 : vector<1x16xi32> to vector<16xi32>
    %and3A = arith.constant 65535 : i32
    %and3A_28 = vector.broadcast %and3A : i32 to vector<16xi32>
    %and3A_29 = arith.andi %get3A_27, %and3A_28 : vector<16xi32>
    %shift_right_arithmetic3A = arith.constant 16 : i32
    %shift_right_arithmetic3A_30 = vector.broadcast %shift_right_arithmetic3A : i32 to vector<16xi32>
    %shift_right_arithmetic3A_31 = arith.shrsi %get3A_27, %shift_right_arithmetic3A_30 : vector<16xi32>
    %swap3A = arith.index_cast %rem3A_20 : i32 to index
    %swap3A_32 = arith.constant 0 : index
    %swap3A_33 = tpu.vector_load %arg7[%swap3A, %swap3A_32] {strides = array<i32>} : memref<2x64xi32, #tpu.memory_space<vmem>>, vector<1x16xi32>,
    %swap3A_34 = vector.shape_cast %swap3A_33 : vector<1x16xi32> to vector<16xi32>
    %swap3A_35 = vector.shape_cast %shift_right_arithmetic3A_31 : vector<16xi32> to vector<1x16xi32>
    tpu.vector_store %arg7[%swap3A, %swap3A_32], %swap3A_35 {strides = array<i32>} : memref<2x64xi32, #tpu.memory_space<vmem>>, vector<1x16xi32>,
    %add3A_36 = arith.constant 10240 : i32
    %add3A_37 = vector.broadcast %add3A_36 : i32 to vector<16xi32>
    %add3A_38 = arith.addi %and3A_29, %add3A_37 : vector<16xi32>
    %swap3A_39 = arith.index_cast %rem3A_20 : i32 to index
    %swap3A_40 = arith.constant 32 : index
    %swap3A_41 = tpu.vector_load %arg7[%swap3A_39, %swap3A_40] {strides = array<i32>} : memref<2x64xi32, #tpu.memory_space<vmem>>, vector<1x16xi32>,
    %swap3A_42 = vector.shape_cast %swap3A_41 : vector<1x16xi32> to vector<16xi32>
    %swap3A_43 = vector.shape_cast %add3A_38 : vector<16xi32> to vector<1x16xi32>
    tpu.vector_store %arg7[%swap3A_39, %swap3A_40], %swap3A_43 {strides = array<i32>} : memref<2x64xi32, #tpu.memory_space<vmem>>, vector<1x16xi32>,
    %swap3A_44 = arith.index_cast %rem3A_23 : i32 to index
    %swap3A_45 = arith.constant 0 : index
    %swap3A_46 = tpu.vector_load %arg8[%swap3A_44, %swap3A_45] {strides = array<i32>} : memref<4x32xi32, #tpu.memory_space<vmem>>, vector<1x16xi32>,
    %swap3A_47 = vector.shape_cast %swap3A_46 : vector<1x16xi32> to vector<16xi32>
    %swap3A_48 = vector.shape_cast %and3A_29 : vector<16xi32> to vector<1x16xi32>
    tpu.vector_store %arg8[%swap3A_44, %swap3A_45], %swap3A_48 {strides = array<i32>} : memref<4x32xi32, #tpu.memory_space<vmem>>, vector<1x16xi32>,
    %get3A_49 = arith.constant 0 : i32
    %get3A_50 = arith.index_cast %get3A_49 : i32 to index
    %get3A_51 = arith.constant 16 : index
    %get3A_52 = tpu.vector_load %arg6[%get3A_50, %get3A_51] {strides = array<i32>} : memref<88x128xi32, #tpu.memory_space<vmem>>, vector<1x16xi32>,
    %get3A_53 = vector.shape_cast %get3A_52 : vector<1x16xi32> to vector<16xi32>
    %and3A_54 = arith.constant 65535 : i32
    %and3A_55 = vector.broadcast %and3A_54 : i32 to vector<16xi32>
    %and3A_56 = arith.andi %get3A_53, %and3A_55 : vector<16xi32>
    %shift_right_arithmetic3A_57 = arith.constant 16 : i32
    %shift_right_arithmetic3A_58 = vector.broadcast %shift_right_arithmetic3A_57 : i32 to vector<16xi32>
    %shift_right_arithmetic3A_59 = arith.shrsi %get3A_53, %shift_right_arithmetic3A_58 : vector<16xi32>
    %swap3A_60 = arith.index_cast %rem3A_20 : i32 to index
    %swap3A_61 = arith.constant 16 : index
    %swap3A_62 = tpu.vector_load %arg7[%swap3A_60, %swap3A_61] {strides = array<i32>} : memref<2x64xi32, #tpu.memory_space<vmem>>, vector<1x16xi32>,
    %swap3A_63 = vector.shape_cast %swap3A_62 : vector<1x16xi32> to vector<16xi32>
    %swap3A_64 = vector.shape_cast %shift_right_arithmetic3A_59 : vector<16xi32> to vector<1x16xi32>
    tpu.vector_store %arg7[%swap3A_60, %swap3A_61], %swap3A_64 {strides = array<i32>} : memref<2x64xi32, #tpu.memory_space<vmem>>, vector<1x16xi32>,
    %add3A_65 = arith.constant 10240 : i32
    %add3A_66 = vector.broadcast %add3A_65 : i32 to vector<16xi32>
    %add3A_67 = arith.addi %and3A_56, %add3A_66 : vector<16xi32>
    %swap3A_68 = arith.index_cast %rem3A_20 : i32 to index
    %swap3A_69 = arith.constant 48 : index
    %swap3A_70 = tpu.vector_load %arg7[%swap3A_68, %swap3A_69] {strides = array<i32>} : memref<2x64xi32, #tpu.memory_space<vmem>>, vector<1x16xi32>,
    %swap3A_71 = vector.shape_cast %swap3A_70 : vector<1x16xi32> to vector<16xi32>
    %swap3A_72 = vector.shape_cast %add3A_67 : vector<16xi32> to vector<1x16xi32>
    tpu.vector_store %arg7[%swap3A_68, %swap3A_69], %swap3A_72 {strides = array<i32>} : memref<2x64xi32, #tpu.memory_space<vmem>>, vector<1x16xi32>,
    %swap3A_73 = arith.index_cast %rem3A_23 : i32 to index
    %swap3A_74 = arith.constant 16 : index
    %swap3A_75 = tpu.vector_load %arg8[%swap3A_73, %swap3A_74] {strides = array<i32>} : memref<4x32xi32, #tpu.memory_space<vmem>>, vector<1x16xi32>,
    %swap3A_76 = vector.shape_cast %swap3A_75 : vector<1x16xi32> to vector<16xi32>
    %swap3A_77 = vector.shape_cast %and3A_56 : vector<16xi32> to vector<1x16xi32>
    tpu.vector_store %arg8[%swap3A_73, %swap3A_74], %swap3A_77 {strides = array<i32>} : memref<4x32xi32, #tpu.memory_space<vmem>>, vector<1x16xi32>,
    %dma_start3A = arith.constant 0 : i32
    %dma_start3A_78 = arith.constant 0 : i32
    %dma_start3A_79 = arith.constant 0 : i32
    %dma_start3A_80 = arith.constant 0 : i32
    %dma_start3A_81 = tpu.memref_slice %arg9[%dma_start3A_78, %dma_start3A_79, %dma_start3A_80] : memref<2x64x128xf32, #tpu.memory_space<vmem>> -> memref<1x64x128xf32, #tpu.memory_space<vmem>>
    %dma_start3A_82 = tpu.memref_squeeze %dma_start3A_81 : memref<1x64x128xf32, #tpu.memory_space<vmem>> -> memref<64x128xf32, #tpu.memory_space<vmem>>
    %dma_start3A_83 = arith.constant 0 : i32
    %dma_start3A_84 = tpu.memref_slice %arg7[%dma_start3A, %dma_start3A_83] : memref<2x64xi32, #tpu.memory_space<vmem>> -> memref<1x64xi32, #tpu.memory_space<vmem>>
    %dma_start3A_85 = tpu.memref_squeeze %dma_start3A_84 : memref<1x64xi32, #tpu.memory_space<vmem>> -> memref<64xi32, #tpu.memory_space<vmem>>
    %dma_start3A_86 = arith.constant 0 : i32
    %dma_start3A_87 = arith.constant 0 : i32
    %dma_start3A_88 = tpu.memref_slice %arg2[%dma_start3A_86, %dma_start3A_87] : memref<20480x128xf32, #tpu.memory_space<hbm>> -> memref<20480x128xf32, #tpu.memory_space<hbm>>
    tpu.enqueue_indirect_dma source(%dma_start3A_88 : memref<20480x128xf32, #tpu.memory_space<hbm>>) target(%dma_start3A_82 : memref<64x128xf32, #tpu.memory_space<vmem>>) offsets(%dma_start3A_85 : memref<64xi32, #tpu.memory_space<vmem>>) semaphore(%arg13 : memref<!tpu.dma_semaphore, #tpu.memory_space<semaphore_mem>>)
    %mul3A_89 = arith.constant 10240 : i32
    %mul3A_90 = arith.muli %add3A, %mul3A_89 : i32
    %add3A_91 = arith.constant 0 : i32
    %add3A_92 = arith.addi %mul3A_90, %add3A_91 : i32
    %dma_start3A_93 = arith.constant 0 : i32
    %dma_start3A_94 = arith.constant 0 : i32
    %dma_start3A_95 = arith.constant 0 : i32
    %dma_start3A_96 = tpu.memref_slice %arg10[%dma_start3A_93, %dma_start3A_94, %dma_start3A_95] : memref<2x32x128xf32, #tpu.memory_space<vmem>> -> memref<1x32x128xf32, #tpu.memory_space<vmem>>
    %dma_start3A_97 = tpu.memref_squeeze %dma_start3A_96 : memref<1x32x128xf32, #tpu.memory_space<vmem>> -> memref<32x128xf32, #tpu.memory_space<vmem>>
    %dma_start3A_98 = arith.constant 0 : i32
    %dma_start3A_99 = tpu.memref_slice %arg3[%add3A_92, %dma_start3A_98] : memref<327680x128xf32, #tpu.memory_space<hbm>> -> memref<32x128xf32, #tpu.memory_space<hbm>>
    %dma_start3A_100 = arith.constant 0 : i32
    %dma_start3A_101 = arith.constant 0 : i32
    %dma_start3A_102 = tpu.memref_slice %arg10[%dma_start3A_93, %dma_start3A_100, %dma_start3A_101] : memref<2x32x128xf32, #tpu.memory_space<vmem>> -> memref<1x32x128xf32, #tpu.memory_space<vmem>>
    %dma_start3A_103 = tpu.memref_squeeze %dma_start3A_102 : memref<1x32x128xf32, #tpu.memory_space<vmem>> -> memref<32x128xf32, #tpu.memory_space<vmem>>
    %dma_start3A_104 = arith.constant 0 : i32
    %dma_start3A_105 = tpu.memref_slice %arg3[%add3A_92, %dma_start3A_104] : memref<327680x128xf32, #tpu.memory_space<hbm>> -> memref<32x128xf32, #tpu.memory_space<hbm>>
    tpu.enqueue_dma source(%dma_start3A_105 : memref<32x128xf32, #tpu.memory_space<hbm>>) target(%dma_start3A_103 : memref<32x128xf32, #tpu.memory_space<vmem>>) target_semaphore(%arg13 : memref<!tpu.dma_semaphore, #tpu.memory_space<semaphore_mem>>)
    %scan3A_106 = arith.constant 0 : i32
    %scan3A_107 = arith.constant 0 : i32
    %scan3A_108 = arith.constant 320 : i32
    %scan3A_109 = arith.addi %scan3A_107, %scan3A_108 : i32
    %scan3A_110 = arith.constant 1 : i32
    scf.for %scan3A_148 = %scan3A_107 to %scan3A_109 step %scan3A_110  : i32 {
      %rem3A_149 = arith.constant 2 : i32
      %rem3A_150 = arith.remsi %scan3A_148, %rem3A_149 : i32
      %rem3A_151 = arith.constant 4 : i32
      %rem3A_152 = arith.remsi %scan3A_148, %rem3A_151 : i32
      %add3A_153 = arith.constant 1 : i32
      %add3A_154 = arith.addi %scan3A_148, %add3A_153 : i32
      %rem3A_155 = arith.constant 2 : i32
      %rem3A_156 = arith.remsi %add3A_154, %rem3A_155 : i32
      %rem3A_157 = arith.constant 4 : i32
      %rem3A_158 = arith.remsi %add3A_154, %rem3A_157 : i32
      %jit3A = arith.constant 4 : i32
      %div3A = arith.divsi %add3A_154, %jit3A : i32
      %sign3A = arith.constant 0 : i32
      %sign3A_159 = arith.cmpi sgt, %add3A_154, %sign3A : i32
      %sign3A_160 = arith.extui %sign3A_159 : i1 to i32
      %sign3A_161 = arith.constant 0 : i32
      %sign3A_162 = arith.cmpi slt, %add3A_154, %sign3A_161 : i32
      %sign3A_163 = arith.extui %sign3A_162 : i1 to i32
      %sign3A_164 = arith.subi %sign3A_160, %sign3A_163 : i32
      %sign3A_165 = arith.constant 0 : i32
      %sign3A_166 = arith.cmpi sgt, %jit3A, %sign3A_165 : i32
      %sign3A_167 = arith.extui %sign3A_166 : i1 to i32
      %sign3A_168 = arith.constant 0 : i32
      %sign3A_169 = arith.cmpi slt, %jit3A, %sign3A_168 : i32
      %sign3A_170 = arith.extui %sign3A_169 : i1 to i32
      %sign3A_171 = arith.subi %sign3A_167, %sign3A_170 : i32
      %ne3A = arith.cmpi ne, %sign3A_164, %sign3A_171 : i32
      %rem3A_172 = arith.remsi %add3A_154, %jit3A : i32
      %ne3A_173 = arith.constant 0 : i32
      %ne3A_174 = arith.cmpi ne, %rem3A_172, %ne3A_173 : i32
      %and3A_175 = arith.andi %ne3A, %ne3A_174 : i1
      %sub3A = arith.constant 1 : i32
      %sub3A_176 = arith.subi %div3A, %sub3A : i32
      %select_n3A = arith.select %and3A_175, %sub3A_176, %div3A : i32
      %jit3A_177 = arith.constant 4 : i32
      %eq3A_178 = arith.constant 0 : i32
      %eq3A_179 = arith.cmpi eq, %jit3A_177, %eq3A_178 : i32
      %jit3A_180 = arith.constant 1 : i32
      %select_n3A_181 = arith.select %eq3A_179, %jit3A_180, %jit3A_177 : i32
      %rem3A_182 = arith.remsi %add3A_154, %select_n3A_181 : i32
      %ne3A_183 = arith.constant 0 : i32
      %ne3A_184 = arith.cmpi ne, %rem3A_182, %ne3A_183 : i32
      %lt3A = arith.constant 0 : i32
      %lt3A_185 = arith.cmpi slt, %rem3A_182, %lt3A : i32
      %lt3A_186 = arith.constant 0 : i32
      %lt3A_187 = arith.cmpi slt, %select_n3A_181, %lt3A_186 : i32
      %ne3A_188 = arith.xori %lt3A_185, %lt3A_187 : i1
      %and3A_189 = arith.andi %ne3A_188, %ne3A_184 : i1
      %add3A_190 = arith.addi %rem3A_182, %select_n3A_181 : i32
      %select_n3A_191 = arith.select %and3A_189, %add3A_190, %rem3A_182 : i32
      %mul3A_192 = arith.constant 32 : i32
      %mul3A_193 = arith.muli %select_n3A_191, %mul3A_192 : i32
      %add3A_194 = arith.constant 0 : i32
      %add3A_195 = arith.addi %mul3A_193, %add3A_194 : i32
      %get3A_196 = arith.index_cast %select_n3A : i32 to index
      %get3A_197 = arith.index_cast %add3A_195 : i32 to index
      %get3A_198 = tpu.vector_load %arg6[%get3A_196, %get3A_197] {strides = array<i32>} : memref<88x128xi32, #tpu.memory_space<vmem>>, vector<1x16xi32>,
      %get3A_199 = vector.shape_cast %get3A_198 : vector<1x16xi32> to vector<16xi32>
      %and3A_200 = arith.constant 65535 : i32
      %and3A_201 = vector.broadcast %and3A_200 : i32 to vector<16xi32>
      %and3A_202 = arith.andi %get3A_199, %and3A_201 : vector<16xi32>
      %shift_right_arithmetic3A_203 = arith.constant 16 : i32
      %shift_right_arithmetic3A_204 = vector.broadcast %shift_right_arithmetic3A_203 : i32 to vector<16xi32>
      %shift_right_arithmetic3A_205 = arith.shrsi %get3A_199, %shift_right_arithmetic3A_204 : vector<16xi32>
      %swap3A_206 = arith.index_cast %rem3A_156 : i32 to index
      %swap3A_207 = arith.constant 0 : index
      %swap3A_208 = tpu.vector_load %arg7[%swap3A_206, %swap3A_207] {strides = array<i32>} : memref<2x64xi32, #tpu.memory_space<vmem>>, vector<1x16xi32>,
      %swap3A_209 = vector.shape_cast %swap3A_208 : vector<1x16xi32> to vector<16xi32>
      %swap3A_210 = vector.shape_cast %shift_right_arithmetic3A_205 : vector<16xi32> to vector<1x16xi32>
      tpu.vector_store %arg7[%swap3A_206, %swap3A_207], %swap3A_210 {strides = array<i32>} : memref<2x64xi32, #tpu.memory_space<vmem>>, vector<1x16xi32>,
      %add3A_211 = arith.constant 10240 : i32
      %add3A_212 = vector.broadcast %add3A_211 : i32 to vector<16xi32>
      %add3A_213 = arith.addi %and3A_202, %add3A_212 : vector<16xi32>
      %swap3A_214 = arith.index_cast %rem3A_156 : i32 to index
      %swap3A_215 = arith.constant 32 : index
      %swap3A_216 = tpu.vector_load %arg7[%swap3A_214, %swap3A_215] {strides = array<i32>} : memref<2x64xi32, #tpu.memory_space<vmem>>, vector<1x16xi32>,
      %swap3A_217 = vector.shape_cast %swap3A_216 : vector<1x16xi32> to vector<16xi32>
      %swap3A_218 = vector.shape_cast %add3A_213 : vector<16xi32> to vector<1x16xi32>
      tpu.vector_store %arg7[%swap3A_214, %swap3A_215], %swap3A_218 {strides = array<i32>} : memref<2x64xi32, #tpu.memory_space<vmem>>, vector<1x16xi32>,
      %swap3A_219 = arith.index_cast %rem3A_158 : i32 to index
      %swap3A_220 = arith.constant 0 : index
      %swap3A_221 = tpu.vector_load %arg8[%swap3A_219, %swap3A_220] {strides = array<i32>} : memref<4x32xi32, #tpu.memory_space<vmem>>, vector<1x16xi32>,
      %swap3A_222 = vector.shape_cast %swap3A_221 : vector<1x16xi32> to vector<16xi32>
      %swap3A_223 = vector.shape_cast %and3A_202 : vector<16xi32> to vector<1x16xi32>
      tpu.vector_store %arg8[%swap3A_219, %swap3A_220], %swap3A_223 {strides = array<i32>} : memref<4x32xi32, #tpu.memory_space<vmem>>, vector<1x16xi32>,
      %mul3A_224 = arith.constant 32 : i32
      %mul3A_225 = arith.muli %select_n3A_191, %mul3A_224 : i32
      %add3A_226 = arith.constant 16 : i32
      %add3A_227 = arith.addi %mul3A_225, %add3A_226 : i32
      %get3A_228 = arith.index_cast %select_n3A : i32 to index
      %get3A_229 = arith.index_cast %add3A_227 : i32 to index
      %get3A_230 = tpu.vector_load %arg6[%get3A_228, %get3A_229] {strides = array<i32>} : memref<88x128xi32, #tpu.memory_space<vmem>>, vector<1x16xi32>,
      %get3A_231 = vector.shape_cast %get3A_230 : vector<1x16xi32> to vector<16xi32>
      %and3A_232 = arith.constant 65535 : i32
      %and3A_233 = vector.broadcast %and3A_232 : i32 to vector<16xi32>
      %and3A_234 = arith.andi %get3A_231, %and3A_233 : vector<16xi32>
      %shift_right_arithmetic3A_235 = arith.constant 16 : i32
      %shift_right_arithmetic3A_236 = vector.broadcast %shift_right_arithmetic3A_235 : i32 to vector<16xi32>
      %shift_right_arithmetic3A_237 = arith.shrsi %get3A_231, %shift_right_arithmetic3A_236 : vector<16xi32>
      %swap3A_238 = arith.index_cast %rem3A_156 : i32 to index
      %swap3A_239 = arith.constant 16 : index
      %swap3A_240 = tpu.vector_load %arg7[%swap3A_238, %swap3A_239] {strides = array<i32>} : memref<2x64xi32, #tpu.memory_space<vmem>>, vector<1x16xi32>,
      %swap3A_241 = vector.shape_cast %swap3A_240 : vector<1x16xi32> to vector<16xi32>
      %swap3A_242 = vector.shape_cast %shift_right_arithmetic3A_237 : vector<16xi32> to vector<1x16xi32>
      tpu.vector_store %arg7[%swap3A_238, %swap3A_239], %swap3A_242 {strides = array<i32>} : memref<2x64xi32, #tpu.memory_space<vmem>>, vector<1x16xi32>,
      %add3A_243 = arith.constant 10240 : i32
      %add3A_244 = vector.broadcast %add3A_243 : i32 to vector<16xi32>
      %add3A_245 = arith.addi %and3A_234, %add3A_244 : vector<16xi32>
      %swap3A_246 = arith.index_cast %rem3A_156 : i32 to index
      %swap3A_247 = arith.constant 48 : index
      %swap3A_248 = tpu.vector_load %arg7[%swap3A_246, %swap3A_247] {strides = array<i32>} : memref<2x64xi32, #tpu.memory_space<vmem>>, vector<1x16xi32>,
      %swap3A_249 = vector.shape_cast %swap3A_248 : vector<1x16xi32> to vector<16xi32>
      %swap3A_250 = vector.shape_cast %add3A_245 : vector<16xi32> to vector<1x16xi32>
      tpu.vector_store %arg7[%swap3A_246, %swap3A_247], %swap3A_250 {strides = array<i32>} : memref<2x64xi32, #tpu.memory_space<vmem>>, vector<1x16xi32>,
      %swap3A_251 = arith.index_cast %rem3A_158 : i32 to index
      %swap3A_252 = arith.constant 16 : index
      %swap3A_253 = tpu.vector_load %arg8[%swap3A_251, %swap3A_252] {strides = array<i32>} : memref<4x32xi32, #tpu.memory_space<vmem>>, vector<1x16xi32>,
      %swap3A_254 = vector.shape_cast %swap3A_253 : vector<1x16xi32> to vector<16xi32>
      %swap3A_255 = vector.shape_cast %and3A_234 : vector<16xi32> to vector<1x16xi32>
      tpu.vector_store %arg8[%swap3A_251, %swap3A_252], %swap3A_255 {strides = array<i32>} : memref<4x32xi32, #tpu.memory_space<vmem>>, vector<1x16xi32>,
      %add3A_256 = arith.constant 1 : i32
      %add3A_257 = arith.addi %scan3A_148, %add3A_256 : i32
      %lt3A_258 = arith.constant 320 : i32
      %lt3A_259 = arith.cmpi slt, %add3A_257, %lt3A_258 : i32
      %eq3A_260 = arith.constant 0 : i32
      %eq3A_261 = arith.cmpi eq, %rem3A_150, %eq3A_260 : i32
      %and3A_262 = arith.andi %lt3A_259, %eq3A_261 : i1
      %convert_element_type3A_263 = arith.extui %and3A_262 : i1 to i32
      %cond3A_264 = arith.constant 0 : i32
      %cond3A_265 = arith.cmpi ne, %convert_element_type3A_263, %cond3A_264 : i32
      scf.if %cond3A_265 {
        %add3A_298 = arith.constant 1 : i32
        %add3A_299 = arith.addi %scan3A_148, %add3A_298 : i32
        %dma_start3A_300 = arith.constant 1 : i32
        %dma_start3A_301 = arith.constant 1 : i32
        %dma_start3A_302 = arith.constant 0 : i32
        %dma_start3A_303 = arith.constant 0 : i32
        %dma_start3A_304 = tpu.memref_slice %arg9[%dma_start3A_301, %dma_start3A_302, %dma_start3A_303] : memref<2x64x128xf32, #tpu.memory_space<vmem>> -> memref<1x64x128xf32, #tpu.memory_space<vmem>>
        %dma_start3A_305 = tpu.memref_squeeze %dma_start3A_304 : memref<1x64x128xf32, #tpu.memory_space<vmem>> -> memref<64x128xf32, #tpu.memory_space<vmem>>
        %dma_start3A_306 = arith.constant 0 : i32
        %dma_start3A_307 = tpu.memref_slice %arg7[%dma_start3A_300, %dma_start3A_306] : memref<2x64xi32, #tpu.memory_space<vmem>> -> memref<1x64xi32, #tpu.memory_space<vmem>>
        %dma_start3A_308 = tpu.memref_squeeze %dma_start3A_307 : memref<1x64xi32, #tpu.memory_space<vmem>> -> memref<64xi32, #tpu.memory_space<vmem>>
        %dma_start3A_309 = arith.constant 0 : i32
        %dma_start3A_310 = arith.constant 0 : i32
        %dma_start3A_311 = tpu.memref_slice %arg2[%dma_start3A_309, %dma_start3A_310] : memref<20480x128xf32, #tpu.memory_space<hbm>> -> memref<20480x128xf32, #tpu.memory_space<hbm>>
        tpu.enqueue_indirect_dma source(%dma_start3A_311 : memref<20480x128xf32, #tpu.memory_space<hbm>>) target(%dma_start3A_305 : memref<64x128xf32, #tpu.memory_space<vmem>>) offsets(%dma_start3A_308 : memref<64xi32, #tpu.memory_space<vmem>>) semaphore(%arg14 : memref<!tpu.dma_semaphore, #tpu.memory_space<semaphore_mem>>)
        %mul3A_312 = arith.constant 10240 : i32
        %mul3A_313 = arith.muli %add3A, %mul3A_312 : i32
        %mul3A_314 = arith.constant 32 : i32
        %mul3A_315 = arith.muli %add3A_299, %mul3A_314 : i32
        %add3A_316 = arith.addi %mul3A_313, %mul3A_315 : i32
        %dma_start3A_317 = arith.constant 1 : i32
        %dma_start3A_318 = arith.constant 0 : i32
        %dma_start3A_319 = arith.constant 0 : i32
        %dma_start3A_320 = tpu.memref_slice %arg10[%dma_start3A_317, %dma_start3A_318, %dma_start3A_319] : memref<2x32x128xf32, #tpu.memory_space<vmem>> -> memref<1x32x128xf32, #tpu.memory_space<vmem>>
        %dma_start3A_321 = tpu.memref_squeeze %dma_start3A_320 : memref<1x32x128xf32, #tpu.memory_space<vmem>> -> memref<32x128xf32, #tpu.memory_space<vmem>>
        %dma_start3A_322 = arith.constant 0 : i32
        %dma_start3A_323 = tpu.memref_slice %arg3[%add3A_316, %dma_start3A_322] : memref<327680x128xf32, #tpu.memory_space<hbm>> -> memref<32x128xf32, #tpu.memory_space<hbm>>
        %dma_start3A_324 = arith.constant 0 : i32
        %dma_start3A_325 = arith.constant 0 : i32
        %dma_start3A_326 = tpu.memref_slice %arg10[%dma_start3A_317, %dma_start3A_324, %dma_start3A_325] : memref<2x32x128xf32, #tpu.memory_space<vmem>> -> memref<1x32x128xf32, #tpu.memory_space<vmem>>
        %dma_start3A_327 = tpu.memref_squeeze %dma_start3A_326 : memref<1x32x128xf32, #tpu.memory_space<vmem>> -> memref<32x128xf32, #tpu.memory_space<vmem>>
        %dma_start3A_328 = arith.constant 0 : i32
        %dma_start3A_329 = tpu.memref_slice %arg3[%add3A_316, %dma_start3A_328] : memref<327680x128xf32, #tpu.memory_space<hbm>> -> memref<32x128xf32, #tpu.memory_space<hbm>>
        tpu.enqueue_dma source(%dma_start3A_329 : memref<32x128xf32, #tpu.memory_space<hbm>>) target(%dma_start3A_327 : memref<32x128xf32, #tpu.memory_space<vmem>>) target_semaphore(%arg14 : memref<!tpu.dma_semaphore, #tpu.memory_space<semaphore_mem>>)
      } else {
      }
      %add3A_266 = arith.constant 1 : i32
      %add3A_267 = arith.addi %scan3A_148, %add3A_266 : i32
      %lt3A_268 = arith.constant 320 : i32
      %lt3A_269 = arith.cmpi slt, %add3A_267, %lt3A_268 : i32
      %eq3A_270 = arith.constant 1 : i32
      %eq3A_271 = arith.cmpi eq, %rem3A_150, %eq3A_270 : i32
      %and3A_272 = arith.andi %lt3A_269, %eq3A_271 : i1
      %convert_element_type3A_273 = arith.extui %and3A_272 : i1 to i32
      %cond3A_274 = arith.constant 0 : i32
      %cond3A_275 = arith.cmpi ne, %convert_element_type3A_273, %cond3A_274 : i32
      scf.if %cond3A_275 {
        %add3A_298 = arith.constant 1 : i32
        %add3A_299 = arith.addi %scan3A_148, %add3A_298 : i32
        %dma_start3A_300 = arith.constant 0 : i32
        %dma_start3A_301 = arith.constant 0 : i32
        %dma_start3A_302 = arith.constant 0 : i32
        %dma_start3A_303 = arith.constant 0 : i32
        %dma_start3A_304 = tpu.memref_slice %arg9[%dma_start3A_301, %dma_start3A_302, %dma_start3A_303] : memref<2x64x128xf32, #tpu.memory_space<vmem>> -> memref<1x64x128xf32, #tpu.memory_space<vmem>>
        %dma_start3A_305 = tpu.memref_squeeze %dma_start3A_304 : memref<1x64x128xf32, #tpu.memory_space<vmem>> -> memref<64x128xf32, #tpu.memory_space<vmem>>
        %dma_start3A_306 = arith.constant 0 : i32
        %dma_start3A_307 = tpu.memref_slice %arg7[%dma_start3A_300, %dma_start3A_306] : memref<2x64xi32, #tpu.memory_space<vmem>> -> memref<1x64xi32, #tpu.memory_space<vmem>>
        %dma_start3A_308 = tpu.memref_squeeze %dma_start3A_307 : memref<1x64xi32, #tpu.memory_space<vmem>> -> memref<64xi32, #tpu.memory_space<vmem>>
        %dma_start3A_309 = arith.constant 0 : i32
        %dma_start3A_310 = arith.constant 0 : i32
        %dma_start3A_311 = tpu.memref_slice %arg2[%dma_start3A_309, %dma_start3A_310] : memref<20480x128xf32, #tpu.memory_space<hbm>> -> memref<20480x128xf32, #tpu.memory_space<hbm>>
        tpu.enqueue_indirect_dma source(%dma_start3A_311 : memref<20480x128xf32, #tpu.memory_space<hbm>>) target(%dma_start3A_305 : memref<64x128xf32, #tpu.memory_space<vmem>>) offsets(%dma_start3A_308 : memref<64xi32, #tpu.memory_space<vmem>>) semaphore(%arg13 : memref<!tpu.dma_semaphore, #tpu.memory_space<semaphore_mem>>)
        %mul3A_312 = arith.constant 10240 : i32
        %mul3A_313 = arith.muli %add3A, %mul3A_312 : i32
        %mul3A_314 = arith.constant 32 : i32
        %mul3A_315 = arith.muli %add3A_299, %mul3A_314 : i32
        %add3A_316 = arith.addi %mul3A_313, %mul3A_315 : i32
        %dma_start3A_317 = arith.constant 0 : i32
        %dma_start3A_318 = arith.constant 0 : i32
        %dma_start3A_319 = arith.constant 0 : i32
        %dma_start3A_320 = tpu.memref_slice %arg10[%dma_start3A_317, %dma_start3A_318, %dma_start3A_319] : memref<2x32x128xf32, #tpu.memory_space<vmem>> -> memref<1x32x128xf32, #tpu.memory_space<vmem>>
        %dma_start3A_321 = tpu.memref_squeeze %dma_start3A_320 : memref<1x32x128xf32, #tpu.memory_space<vmem>> -> memref<32x128xf32, #tpu.memory_space<vmem>>
        %dma_start3A_322 = arith.constant 0 : i32
        %dma_start3A_323 = tpu.memref_slice %arg3[%add3A_316, %dma_start3A_322] : memref<327680x128xf32, #tpu.memory_space<hbm>> -> memref<32x128xf32, #tpu.memory_space<hbm>>
        %dma_start3A_324 = arith.constant 0 : i32
        %dma_start3A_325 = arith.constant 0 : i32
        %dma_start3A_326 = tpu.memref_slice %arg10[%dma_start3A_317, %dma_start3A_324, %dma_start3A_325] : memref<2x32x128xf32, #tpu.memory_space<vmem>> -> memref<1x32x128xf32, #tpu.memory_space<vmem>>
        %dma_start3A_327 = tpu.memref_squeeze %dma_start3A_326 : memref<1x32x128xf32, #tpu.memory_space<vmem>> -> memref<32x128xf32, #tpu.memory_space<vmem>>
        %dma_start3A_328 = arith.constant 0 : i32
        %dma_start3A_329 = tpu.memref_slice %arg3[%add3A_316, %dma_start3A_328] : memref<327680x128xf32, #tpu.memory_space<hbm>> -> memref<32x128xf32, #tpu.memory_space<hbm>>
        tpu.enqueue_dma source(%dma_start3A_329 : memref<32x128xf32, #tpu.memory_space<hbm>>) target(%dma_start3A_327 : memref<32x128xf32, #tpu.memory_space<vmem>>) target_semaphore(%arg13 : memref<!tpu.dma_semaphore, #tpu.memory_space<semaphore_mem>>)
      } else {
      }
      %eq3A_276 = arith.constant 0 : i32
      %eq3A_277 = arith.cmpi eq, %rem3A_150, %eq3A_276 : i32
      %convert_element_type3A_278 = arith.extui %eq3A_277 : i1 to i32
      %cond3A_279 = arith.constant 0 : i32
      %cond3A_280 = arith.cmpi ne, %convert_element_type3A_278, %cond3A_279 : i32
      scf.if %cond3A_280 {
        %dma_wait3A_298 = arith.constant 0 : i32
        %dma_wait3A_299 = arith.constant 0 : i32
        %dma_wait3A_300 = arith.constant 0 : i32
        %dma_wait3A_301 = arith.constant 0 : i32
        %dma_wait3A_302 = tpu.memref_slice %arg9[%dma_wait3A_299, %dma_wait3A_300, %dma_wait3A_301] : memref<2x64x128xf32, #tpu.memory_space<vmem>> -> memref<1x64x128xf32, #tpu.memory_space<vmem>>
        %dma_wait3A_303 = tpu.memref_squeeze %dma_wait3A_302 : memref<1x64x128xf32, #tpu.memory_space<vmem>> -> memref<64x128xf32, #tpu.memory_space<vmem>>
        %dma_wait3A_304 = arith.constant 0 : i32
        %dma_wait3A_305 = tpu.memref_slice %arg7[%dma_wait3A_298, %dma_wait3A_304] : memref<2x64xi32, #tpu.memory_space<vmem>> -> memref<1x64xi32, #tpu.memory_space<vmem>>
        %dma_wait3A_306 = tpu.memref_squeeze %dma_wait3A_305 : memref<1x64xi32, #tpu.memory_space<vmem>> -> memref<64xi32, #tpu.memory_space<vmem>>
        %dma_wait3A_307 = arith.constant 0 : i32
        %dma_wait3A_308 = arith.constant 0 : i32
        %dma_wait3A_309 = tpu.memref_slice %arg2[%dma_wait3A_307, %dma_wait3A_308] : memref<20480x128xf32, #tpu.memory_space<hbm>> -> memref<20480x128xf32, #tpu.memory_space<hbm>>
        tpu.wait_indirect_dma semaphore(%arg13 : memref<!tpu.dma_semaphore, #tpu.memory_space<semaphore_mem>>) src(%dma_wait3A_309 : memref<20480x128xf32, #tpu.memory_space<hbm>>) dst(%dma_wait3A_303 : memref<64x128xf32, #tpu.memory_space<vmem>>)
        %mul3A_310 = arith.constant 10240 : i32
        %mul3A_311 = arith.muli %add3A, %mul3A_310 : i32
        %mul3A_312 = arith.constant 32 : i32
        %mul3A_313 = arith.muli %scan3A_148, %mul3A_312 : i32
        %add3A_314 = arith.addi %mul3A_311, %mul3A_313 : i32
        %dma_wait3A_315 = arith.constant 0 : i32
        %dma_wait3A_316 = arith.constant 0 : i32
        %dma_wait3A_317 = arith.constant 0 : i32
        %dma_wait3A_318 = tpu.memref_slice %arg10[%dma_wait3A_315, %dma_wait3A_316, %dma_wait3A_317] : memref<2x32x128xf32, #tpu.memory_space<vmem>> -> memref<1x32x128xf32, #tpu.memory_space<vmem>>
        %dma_wait3A_319 = tpu.memref_squeeze %dma_wait3A_318 : memref<1x32x128xf32, #tpu.memory_space<vmem>> -> memref<32x128xf32, #tpu.memory_space<vmem>>
        %dma_wait3A_320 = arith.constant 0 : i32
        %dma_wait3A_321 = tpu.memref_slice %arg3[%add3A_314, %dma_wait3A_320] : memref<327680x128xf32, #tpu.memory_space<hbm>> -> memref<32x128xf32, #tpu.memory_space<hbm>>
        %dma_wait3A_322 = arith.constant 0 : i32
        %dma_wait3A_323 = arith.constant 0 : i32
        %dma_wait3A_324 = tpu.memref_slice %arg10[%dma_wait3A_315, %dma_wait3A_322, %dma_wait3A_323] : memref<2x32x128xf32, #tpu.memory_space<vmem>> -> memref<1x32x128xf32, #tpu.memory_space<vmem>>
        %dma_wait3A_325 = tpu.memref_squeeze %dma_wait3A_324 : memref<1x32x128xf32, #tpu.memory_space<vmem>> -> memref<32x128xf32, #tpu.memory_space<vmem>>
        %dma_wait3A_326 = arith.constant 0 : i32
        %dma_wait3A_327 = tpu.memref_slice %arg3[%add3A_314, %dma_wait3A_326] : memref<327680x128xf32, #tpu.memory_space<hbm>> -> memref<32x128xf32, #tpu.memory_space<hbm>>
        tpu.wait_dma2 semaphore(%arg13 : memref<!tpu.dma_semaphore, #tpu.memory_space<semaphore_mem>>) src(%dma_wait3A_327 : memref<32x128xf32, #tpu.memory_space<hbm>>) dst(%dma_wait3A_325 : memref<32x128xf32, #tpu.memory_space<vmem>>)
        %gt3A = arith.constant 1 : i32
        %gt3A_328 = arith.cmpi sgt, %scan3A_148, %gt3A : i32
        %convert_element_type3A_329 = arith.extui %gt3A_328 : i1 to i32
        %cond3A_330 = arith.constant 0 : i32
        %cond3A_331 = arith.cmpi ne, %convert_element_type3A_329, %cond3A_330 : i32
        scf.if %cond3A_331 {
          %dma_wait3A_332 = arith.constant 0 : i32
          %dma_wait3A_333 = arith.constant 0 : i32
          %dma_wait3A_334 = arith.constant 0 : i32
          %dma_wait3A_335 = tpu.memref_slice %arg11[%dma_wait3A_332, %dma_wait3A_333, %dma_wait3A_334] : memref<2x32x128xf32, #tpu.memory_space<vmem>> -> memref<1x32x128xf32, #tpu.memory_space<vmem>>
          %dma_wait3A_336 = tpu.memref_squeeze %dma_wait3A_335 : memref<1x32x128xf32, #tpu.memory_space<vmem>> -> memref<32x128xf32, #tpu.memory_space<vmem>>
          %dma_wait3A_337 = arith.constant 0 : i32
          %dma_wait3A_338 = tpu.memref_slice %arg8[%rem3A_152, %dma_wait3A_337] : memref<4x32xi32, #tpu.memory_space<vmem>> -> memref<1x32xi32, #tpu.memory_space<vmem>>
          %dma_wait3A_339 = tpu.memref_squeeze %dma_wait3A_338 : memref<1x32xi32, #tpu.memory_space<vmem>> -> memref<32xi32, #tpu.memory_space<vmem>>
          %dma_wait3A_340 = arith.constant 0 : i32
          %dma_wait3A_341 = arith.constant 0 : i32
          %dma_wait3A_342 = tpu.memref_slice %arg12[%dma_wait3A_340, %dma_wait3A_341] : memref<10016x128xf32, #tpu.memory_space<vmem_shared>> -> memref<10016x128xf32, #tpu.memory_space<vmem_shared>>
          tpu.wait_indirect_dma semaphore(%arg15 : memref<!tpu.dma_semaphore, #tpu.memory_space<semaphore_mem>>) src(%dma_wait3A_336 : memref<32x128xf32, #tpu.memory_space<vmem>>) dst(%dma_wait3A_342 : memref<10016x128xf32, #tpu.memory_space<vmem_shared>>)
        } else {
        }
      } else {
      }
      %eq3A_281 = arith.constant 1 : i32
      %eq3A_282 = arith.cmpi eq, %rem3A_150, %eq3A_281 : i32
      %convert_element_type3A_283 = arith.extui %eq3A_282 : i1 to i32
      %cond3A_284 = arith.constant 0 : i32
      %cond3A_285 = arith.cmpi ne, %convert_element_type3A_283, %cond3A_284 : i32
      scf.if %cond3A_285 {
        %dma_wait3A_298 = arith.constant 1 : i32
        %dma_wait3A_299 = arith.constant 1 : i32
        %dma_wait3A_300 = arith.constant 0 : i32
        %dma_wait3A_301 = arith.constant 0 : i32
        %dma_wait3A_302 = tpu.memref_slice %arg9[%dma_wait3A_299, %dma_wait3A_300, %dma_wait3A_301] : memref<2x64x128xf32, #tpu.memory_space<vmem>> -> memref<1x64x128xf32, #tpu.memory_space<vmem>>
        %dma_wait3A_303 = tpu.memref_squeeze %dma_wait3A_302 : memref<1x64x128xf32, #tpu.memory_space<vmem>> -> memref<64x128xf32, #tpu.memory_space<vmem>>
        %dma_wait3A_304 = arith.constant 0 : i32
        %dma_wait3A_305 = tpu.memref_slice %arg7[%dma_wait3A_298, %dma_wait3A_304] : memref<2x64xi32, #tpu.memory_space<vmem>> -> memref<1x64xi32, #tpu.memory_space<vmem>>
        %dma_wait3A_306 = tpu.memref_squeeze %dma_wait3A_305 : memref<1x64xi32, #tpu.memory_space<vmem>> -> memref<64xi32, #tpu.memory_space<vmem>>
        %dma_wait3A_307 = arith.constant 0 : i32
        %dma_wait3A_308 = arith.constant 0 : i32
        %dma_wait3A_309 = tpu.memref_slice %arg2[%dma_wait3A_307, %dma_wait3A_308] : memref<20480x128xf32, #tpu.memory_space<hbm>> -> memref<20480x128xf32, #tpu.memory_space<hbm>>
        tpu.wait_indirect_dma semaphore(%arg14 : memref<!tpu.dma_semaphore, #tpu.memory_space<semaphore_mem>>) src(%dma_wait3A_309 : memref<20480x128xf32, #tpu.memory_space<hbm>>) dst(%dma_wait3A_303 : memref<64x128xf32, #tpu.memory_space<vmem>>)
        %mul3A_310 = arith.constant 10240 : i32
        %mul3A_311 = arith.muli %add3A, %mul3A_310 : i32
        %mul3A_312 = arith.constant 32 : i32
        %mul3A_313 = arith.muli %scan3A_148, %mul3A_312 : i32
        %add3A_314 = arith.addi %mul3A_311, %mul3A_313 : i32
        %dma_wait3A_315 = arith.constant 1 : i32
        %dma_wait3A_316 = arith.constant 0 : i32
        %dma_wait3A_317 = arith.constant 0 : i32
        %dma_wait3A_318 = tpu.memref_slice %arg10[%dma_wait3A_315, %dma_wait3A_316, %dma_wait3A_317] : memref<2x32x128xf32, #tpu.memory_space<vmem>> -> memref<1x32x128xf32, #tpu.memory_space<vmem>>
        %dma_wait3A_319 = tpu.memref_squeeze %dma_wait3A_318 : memref<1x32x128xf32, #tpu.memory_space<vmem>> -> memref<32x128xf32, #tpu.memory_space<vmem>>
        %dma_wait3A_320 = arith.constant 0 : i32
        %dma_wait3A_321 = tpu.memref_slice %arg3[%add3A_314, %dma_wait3A_320] : memref<327680x128xf32, #tpu.memory_space<hbm>> -> memref<32x128xf32, #tpu.memory_space<hbm>>
        %dma_wait3A_322 = arith.constant 0 : i32
        %dma_wait3A_323 = arith.constant 0 : i32
        %dma_wait3A_324 = tpu.memref_slice %arg10[%dma_wait3A_315, %dma_wait3A_322, %dma_wait3A_323] : memref<2x32x128xf32, #tpu.memory_space<vmem>> -> memref<1x32x128xf32, #tpu.memory_space<vmem>>
        %dma_wait3A_325 = tpu.memref_squeeze %dma_wait3A_324 : memref<1x32x128xf32, #tpu.memory_space<vmem>> -> memref<32x128xf32, #tpu.memory_space<vmem>>
        %dma_wait3A_326 = arith.constant 0 : i32
        %dma_wait3A_327 = tpu.memref_slice %arg3[%add3A_314, %dma_wait3A_326] : memref<327680x128xf32, #tpu.memory_space<hbm>> -> memref<32x128xf32, #tpu.memory_space<hbm>>
        tpu.wait_dma2 semaphore(%arg14 : memref<!tpu.dma_semaphore, #tpu.memory_space<semaphore_mem>>) src(%dma_wait3A_327 : memref<32x128xf32, #tpu.memory_space<hbm>>) dst(%dma_wait3A_325 : memref<32x128xf32, #tpu.memory_space<vmem>>)
        %gt3A = arith.constant 1 : i32
        %gt3A_328 = arith.cmpi sgt, %scan3A_148, %gt3A : i32
        %convert_element_type3A_329 = arith.extui %gt3A_328 : i1 to i32
        %cond3A_330 = arith.constant 0 : i32
        %cond3A_331 = arith.cmpi ne, %convert_element_type3A_329, %cond3A_330 : i32
        scf.if %cond3A_331 {
          %dma_wait3A_332 = arith.constant 1 : i32
          %dma_wait3A_333 = arith.constant 0 : i32
          %dma_wait3A_334 = arith.constant 0 : i32
          %dma_wait3A_335 = tpu.memref_slice %arg11[%dma_wait3A_332, %dma_wait3A_333, %dma_wait3A_334] : memref<2x32x128xf32, #tpu.memory_space<vmem>> -> memref<1x32x128xf32, #tpu.memory_space<vmem>>
          %dma_wait3A_336 = tpu.memref_squeeze %dma_wait3A_335 : memref<1x32x128xf32, #tpu.memory_space<vmem>> -> memref<32x128xf32, #tpu.memory_space<vmem>>
          %dma_wait3A_337 = arith.constant 0 : i32
          %dma_wait3A_338 = tpu.memref_slice %arg8[%rem3A_152, %dma_wait3A_337] : memref<4x32xi32, #tpu.memory_space<vmem>> -> memref<1x32xi32, #tpu.memory_space<vmem>>
          %dma_wait3A_339 = tpu.memref_squeeze %dma_wait3A_338 : memref<1x32xi32, #tpu.memory_space<vmem>> -> memref<32xi32, #tpu.memory_space<vmem>>
          %dma_wait3A_340 = arith.constant 0 : i32
          %dma_wait3A_341 = arith.constant 0 : i32
          %dma_wait3A_342 = tpu.memref_slice %arg12[%dma_wait3A_340, %dma_wait3A_341] : memref<10016x128xf32, #tpu.memory_space<vmem_shared>> -> memref<10016x128xf32, #tpu.memory_space<vmem_shared>>
          tpu.wait_indirect_dma semaphore(%arg16 : memref<!tpu.dma_semaphore, #tpu.memory_space<semaphore_mem>>) src(%dma_wait3A_336 : memref<32x128xf32, #tpu.memory_space<vmem>>) dst(%dma_wait3A_342 : memref<10016x128xf32, #tpu.memory_space<vmem_shared>>)
        } else {
        }
      } else {
      }
      %parallel_loop3A = arith.constant 0 : i32
      %parallel_loop3A_286 = arith.constant 32 : i32
      %parallel_loop3A_287 = arith.constant 1 : i32
      scf.for %parallel_loop3A_298 = %parallel_loop3A to %parallel_loop3A_286 step %parallel_loop3A_287  : i32 {
        %parallel_loop3A_299 = arith.index_cast %rem3A_150 : i32 to index
        %parallel_loop3A_300 = arith.index_cast %parallel_loop3A_298 : i32 to index
        %parallel_loop3A_301 = arith.constant 0 : index
        %parallel_loop3A_302 = tpu.vector_load %arg9[%parallel_loop3A_299, %parallel_loop3A_300, %parallel_loop3A_301] {strides = array<i32>} : memref<2x64x128xf32, #tpu.memory_space<vmem>>, vector<1x1x16xf32>,
        %parallel_loop3A_303 = vector.shape_cast %parallel_loop3A_302 : vector<1x1x16xf32> to vector<16xf32>
        %parallel_loop3A_304 = arith.constant 32 : i32
        %parallel_loop3A_305 = arith.addi %parallel_loop3A_304, %parallel_loop3A_298 : i32
        %parallel_loop3A_306 = arith.index_cast %rem3A_150 : i32 to index
        %parallel_loop3A_307 = arith.index_cast %parallel_loop3A_305 : i32 to index
        %parallel_loop3A_308 = arith.constant 0 : index
        %parallel_loop3A_309 = tpu.vector_load %arg9[%parallel_loop3A_306, %parallel_loop3A_307, %parallel_loop3A_308] {strides = array<i32>} : memref<2x64x128xf32, #tpu.memory_space<vmem>>, vector<1x1x16xf32>,
        %parallel_loop3A_310 = vector.shape_cast %parallel_loop3A_309 : vector<1x1x16xf32> to vector<16xf32>
        %parallel_loop3A_311 = arith.addf %parallel_loop3A_303, %parallel_loop3A_310 : vector<16xf32>
        %parallel_loop3A_312 = arith.index_cast %rem3A_150 : i32 to index
        %parallel_loop3A_313 = arith.index_cast %parallel_loop3A_298 : i32 to index
        %parallel_loop3A_314 = arith.constant 0 : index
        %parallel_loop3A_315 = tpu.vector_load %arg10[%parallel_loop3A_312, %parallel_loop3A_313, %parallel_loop3A_314] {strides = array<i32>} : memref<2x32x128xf32, #tpu.memory_space<vmem>>, vector<1x1x16xf32>,
        %parallel_loop3A_316 = vector.shape_cast %parallel_loop3A_315 : vector<1x1x16xf32> to vector<16xf32>
        %parallel_loop3A_317 = arith.addf %parallel_loop3A_311, %parallel_loop3A_316 : vector<16xf32>
        %parallel_loop3A_318 = arith.constant 0.000000e+00 : f32
        %parallel_loop3A_319 = vector.broadcast %parallel_loop3A_318 : f32 to vector<16xf32>
        %parallel_loop3A_320 = arith.maximumf %parallel_loop3A_317, %parallel_loop3A_319 : vector<16xf32>
        %parallel_loop3A_321 = arith.index_cast %rem3A_150 : i32 to index
        %parallel_loop3A_322 = arith.index_cast %parallel_loop3A_298 : i32 to index
        %parallel_loop3A_323 = arith.constant 0 : index
        %parallel_loop3A_324 = tpu.vector_load %arg11[%parallel_loop3A_321, %parallel_loop3A_322, %parallel_loop3A_323] {strides = array<i32>} : memref<2x32x128xf32, #tpu.memory_space<vmem>>, vector<1x1x16xf32>,
        %parallel_loop3A_325 = vector.shape_cast %parallel_loop3A_324 : vector<1x1x16xf32> to vector<16xf32>
        %parallel_loop3A_326 = vector.shape_cast %parallel_loop3A_320 : vector<16xf32> to vector<1x1x16xf32>
        tpu.vector_store %arg11[%parallel_loop3A_321, %parallel_loop3A_322, %parallel_loop3A_323], %parallel_loop3A_326 {strides = array<i32>} : memref<2x32x128xf32, #tpu.memory_space<vmem>>, vector<1x1x16xf32>,
        %parallel_loop3A_327 = arith.index_cast %rem3A_150 : i32 to index
        %parallel_loop3A_328 = arith.index_cast %parallel_loop3A_298 : i32 to index
        %parallel_loop3A_329 = arith.constant 16 : index
        %parallel_loop3A_330 = tpu.vector_load %arg9[%parallel_loop3A_327, %parallel_loop3A_328, %parallel_loop3A_329] {strides = array<i32>} : memref<2x64x128xf32, #tpu.memory_space<vmem>>, vector<1x1x16xf32>,
        %parallel_loop3A_331 = vector.shape_cast %parallel_loop3A_330 : vector<1x1x16xf32> to vector<16xf32>
        %parallel_loop3A_332 = arith.constant 32 : i32
        %parallel_loop3A_333 = arith.addi %parallel_loop3A_332, %parallel_loop3A_298 : i32
        %parallel_loop3A_334 = arith.index_cast %rem3A_150 : i32 to index
        %parallel_loop3A_335 = arith.index_cast %parallel_loop3A_333 : i32 to index
        %parallel_loop3A_336 = arith.constant 16 : index
        %parallel_loop3A_337 = tpu.vector_load %arg9[%parallel_loop3A_334, %parallel_loop3A_335, %parallel_loop3A_336] {strides = array<i32>} : memref<2x64x128xf32, #tpu.memory_space<vmem>>, vector<1x1x16xf32>,
        %parallel_loop3A_338 = vector.shape_cast %parallel_loop3A_337 : vector<1x1x16xf32> to vector<16xf32>
        %parallel_loop3A_339 = arith.addf %parallel_loop3A_331, %parallel_loop3A_338 : vector<16xf32>
        %parallel_loop3A_340 = arith.index_cast %rem3A_150 : i32 to index
        %parallel_loop3A_341 = arith.index_cast %parallel_loop3A_298 : i32 to index
        %parallel_loop3A_342 = arith.constant 16 : index
        %parallel_loop3A_343 = tpu.vector_load %arg10[%parallel_loop3A_340, %parallel_loop3A_341, %parallel_loop3A_342] {strides = array<i32>} : memref<2x32x128xf32, #tpu.memory_space<vmem>>, vector<1x1x16xf32>,
        %parallel_loop3A_344 = vector.shape_cast %parallel_loop3A_343 : vector<1x1x16xf32> to vector<16xf32>
        %parallel_loop3A_345 = arith.addf %parallel_loop3A_339, %parallel_loop3A_344 : vector<16xf32>
        %parallel_loop3A_346 = arith.constant 0.000000e+00 : f32
        %parallel_loop3A_347 = vector.broadcast %parallel_loop3A_346 : f32 to vector<16xf32>
        %parallel_loop3A_348 = arith.maximumf %parallel_loop3A_345, %parallel_loop3A_347 : vector<16xf32>
        %parallel_loop3A_349 = arith.index_cast %rem3A_150 : i32 to index
        %parallel_loop3A_350 = arith.index_cast %parallel_loop3A_298 : i32 to index
        %parallel_loop3A_351 = arith.constant 16 : index
        %parallel_loop3A_352 = tpu.vector_load %arg11[%parallel_loop3A_349, %parallel_loop3A_350, %parallel_loop3A_351] {strides = array<i32>} : memref<2x32x128xf32, #tpu.memory_space<vmem>>, vector<1x1x16xf32>,
        %parallel_loop3A_353 = vector.shape_cast %parallel_loop3A_352 : vector<1x1x16xf32> to vector<16xf32>
        %parallel_loop3A_354 = vector.shape_cast %parallel_loop3A_348 : vector<16xf32> to vector<1x1x16xf32>
        tpu.vector_store %arg11[%parallel_loop3A_349, %parallel_loop3A_350, %parallel_loop3A_351], %parallel_loop3A_354 {strides = array<i32>} : memref<2x32x128xf32, #tpu.memory_space<vmem>>, vector<1x1x16xf32>,
        %parallel_loop3A_355 = arith.index_cast %rem3A_150 : i32 to index
        %parallel_loop3A_356 = arith.index_cast %parallel_loop3A_298 : i32 to index
        %parallel_loop3A_357 = arith.constant 32 : index
        %parallel_loop3A_358 = tpu.vector_load %arg9[%parallel_loop3A_355, %parallel_loop3A_356, %parallel_loop3A_357] {strides = array<i32>} : memref<2x64x128xf32, #tpu.memory_space<vmem>>, vector<1x1x16xf32>,
        %parallel_loop3A_359 = vector.shape_cast %parallel_loop3A_358 : vector<1x1x16xf32> to vector<16xf32>
        %parallel_loop3A_360 = arith.constant 32 : i32
        %parallel_loop3A_361 = arith.addi %parallel_loop3A_360, %parallel_loop3A_298 : i32
        %parallel_loop3A_362 = arith.index_cast %rem3A_150 : i32 to index
        %parallel_loop3A_363 = arith.index_cast %parallel_loop3A_361 : i32 to index
        %parallel_loop3A_364 = arith.constant 32 : index
        %parallel_loop3A_365 = tpu.vector_load %arg9[%parallel_loop3A_362, %parallel_loop3A_363, %parallel_loop3A_364] {strides = array<i32>} : memref<2x64x128xf32, #tpu.memory_space<vmem>>, vector<1x1x16xf32>,
        %parallel_loop3A_366 = vector.shape_cast %parallel_loop3A_365 : vector<1x1x16xf32> to vector<16xf32>
        %parallel_loop3A_367 = arith.addf %parallel_loop3A_359, %parallel_loop3A_366 : vector<16xf32>
        %parallel_loop3A_368 = arith.index_cast %rem3A_150 : i32 to index
        %parallel_loop3A_369 = arith.index_cast %parallel_loop3A_298 : i32 to index
        %parallel_loop3A_370 = arith.constant 32 : index
        %parallel_loop3A_371 = tpu.vector_load %arg10[%parallel_loop3A_368, %parallel_loop3A_369, %parallel_loop3A_370] {strides = array<i32>} : memref<2x32x128xf32, #tpu.memory_space<vmem>>, vector<1x1x16xf32>,
        %parallel_loop3A_372 = vector.shape_cast %parallel_loop3A_371 : vector<1x1x16xf32> to vector<16xf32>
        %parallel_loop3A_373 = arith.addf %parallel_loop3A_367, %parallel_loop3A_372 : vector<16xf32>
        %parallel_loop3A_374 = arith.constant 0.000000e+00 : f32
        %parallel_loop3A_375 = vector.broadcast %parallel_loop3A_374 : f32 to vector<16xf32>
        %parallel_loop3A_376 = arith.maximumf %parallel_loop3A_373, %parallel_loop3A_375 : vector<16xf32>
        %parallel_loop3A_377 = arith.index_cast %rem3A_150 : i32 to index
        %parallel_loop3A_378 = arith.index_cast %parallel_loop3A_298 : i32 to index
        %parallel_loop3A_379 = arith.constant 32 : index
        %parallel_loop3A_380 = tpu.vector_load %arg11[%parallel_loop3A_377, %parallel_loop3A_378, %parallel_loop3A_379] {strides = array<i32>} : memref<2x32x128xf32, #tpu.memory_space<vmem>>, vector<1x1x16xf32>,
        %parallel_loop3A_381 = vector.shape_cast %parallel_loop3A_380 : vector<1x1x16xf32> to vector<16xf32>
        %parallel_loop3A_382 = vector.shape_cast %parallel_loop3A_376 : vector<16xf32> to vector<1x1x16xf32>
        tpu.vector_store %arg11[%parallel_loop3A_377, %parallel_loop3A_378, %parallel_loop3A_379], %parallel_loop3A_382 {strides = array<i32>} : memref<2x32x128xf32, #tpu.memory_space<vmem>>, vector<1x1x16xf32>,
        %parallel_loop3A_383 = arith.index_cast %rem3A_150 : i32 to index
        %parallel_loop3A_384 = arith.index_cast %parallel_loop3A_298 : i32 to index
        %parallel_loop3A_385 = arith.constant 48 : index
        %parallel_loop3A_386 = tpu.vector_load %arg9[%parallel_loop3A_383, %parallel_loop3A_384, %parallel_loop3A_385] {strides = array<i32>} : memref<2x64x128xf32, #tpu.memory_space<vmem>>, vector<1x1x16xf32>,
        %parallel_loop3A_387 = vector.shape_cast %parallel_loop3A_386 : vector<1x1x16xf32> to vector<16xf32>
        %parallel_loop3A_388 = arith.constant 32 : i32
        %parallel_loop3A_389 = arith.addi %parallel_loop3A_388, %parallel_loop3A_298 : i32
        %parallel_loop3A_390 = arith.index_cast %rem3A_150 : i32 to index
        %parallel_loop3A_391 = arith.index_cast %parallel_loop3A_389 : i32 to index
        %parallel_loop3A_392 = arith.constant 48 : index
        %parallel_loop3A_393 = tpu.vector_load %arg9[%parallel_loop3A_390, %parallel_loop3A_391, %parallel_loop3A_392] {strides = array<i32>} : memref<2x64x128xf32, #tpu.memory_space<vmem>>, vector<1x1x16xf32>,
        %parallel_loop3A_394 = vector.shape_cast %parallel_loop3A_393 : vector<1x1x16xf32> to vector<16xf32>
        %parallel_loop3A_395 = arith.addf %parallel_loop3A_387, %parallel_loop3A_394 : vector<16xf32>
        %parallel_loop3A_396 = arith.index_cast %rem3A_150 : i32 to index
        %parallel_loop3A_397 = arith.index_cast %parallel_loop3A_298 : i32 to index
        %parallel_loop3A_398 = arith.constant 48 : index
        %parallel_loop3A_399 = tpu.vector_load %arg10[%parallel_loop3A_396, %parallel_loop3A_397, %parallel_loop3A_398] {strides = array<i32>} : memref<2x32x128xf32, #tpu.memory_space<vmem>>, vector<1x1x16xf32>,
        %parallel_loop3A_400 = vector.shape_cast %parallel_loop3A_399 : vector<1x1x16xf32> to vector<16xf32>
        %parallel_loop3A_401 = arith.addf %parallel_loop3A_395, %parallel_loop3A_400 : vector<16xf32>
        %parallel_loop3A_402 = arith.constant 0.000000e+00 : f32
        %parallel_loop3A_403 = vector.broadcast %parallel_loop3A_402 : f32 to vector<16xf32>
        %parallel_loop3A_404 = arith.maximumf %parallel_loop3A_401, %parallel_loop3A_403 : vector<16xf32>
        %parallel_loop3A_405 = arith.index_cast %rem3A_150 : i32 to index
        %parallel_loop3A_406 = arith.index_cast %parallel_loop3A_298 : i32 to index
        %parallel_loop3A_407 = arith.constant 48 : index
        %parallel_loop3A_408 = tpu.vector_load %arg11[%parallel_loop3A_405, %parallel_loop3A_406, %parallel_loop3A_407] {strides = array<i32>} : memref<2x32x128xf32, #tpu.memory_space<vmem>>, vector<1x1x16xf32>,
        %parallel_loop3A_409 = vector.shape_cast %parallel_loop3A_408 : vector<1x1x16xf32> to vector<16xf32>
        %parallel_loop3A_410 = vector.shape_cast %parallel_loop3A_404 : vector<16xf32> to vector<1x1x16xf32>
        tpu.vector_store %arg11[%parallel_loop3A_405, %parallel_loop3A_406, %parallel_loop3A_407], %parallel_loop3A_410 {strides = array<i32>} : memref<2x32x128xf32, #tpu.memory_space<vmem>>, vector<1x1x16xf32>,
        %parallel_loop3A_411 = arith.index_cast %rem3A_150 : i32 to index
        %parallel_loop3A_412 = arith.index_cast %parallel_loop3A_298 : i32 to index
        %parallel_loop3A_413 = arith.constant 64 : index
        %parallel_loop3A_414 = tpu.vector_load %arg9[%parallel_loop3A_411, %parallel_loop3A_412, %parallel_loop3A_413] {strides = array<i32>} : memref<2x64x128xf32, #tpu.memory_space<vmem>>, vector<1x1x16xf32>,
        %parallel_loop3A_415 = vector.shape_cast %parallel_loop3A_414 : vector<1x1x16xf32> to vector<16xf32>
        %parallel_loop3A_416 = arith.constant 32 : i32
        %parallel_loop3A_417 = arith.addi %parallel_loop3A_416, %parallel_loop3A_298 : i32
        %parallel_loop3A_418 = arith.index_cast %rem3A_150 : i32 to index
        %parallel_loop3A_419 = arith.index_cast %parallel_loop3A_417 : i32 to index
        %parallel_loop3A_420 = arith.constant 64 : index
        %parallel_loop3A_421 = tpu.vector_load %arg9[%parallel_loop3A_418, %parallel_loop3A_419, %parallel_loop3A_420] {strides = array<i32>} : memref<2x64x128xf32, #tpu.memory_space<vmem>>, vector<1x1x16xf32>,
        %parallel_loop3A_422 = vector.shape_cast %parallel_loop3A_421 : vector<1x1x16xf32> to vector<16xf32>
        %parallel_loop3A_423 = arith.addf %parallel_loop3A_415, %parallel_loop3A_422 : vector<16xf32>
        %parallel_loop3A_424 = arith.index_cast %rem3A_150 : i32 to index
        %parallel_loop3A_425 = arith.index_cast %parallel_loop3A_298 : i32 to index
        %parallel_loop3A_426 = arith.constant 64 : index
        %parallel_loop3A_427 = tpu.vector_load %arg10[%parallel_loop3A_424, %parallel_loop3A_425, %parallel_loop3A_426] {strides = array<i32>} : memref<2x32x128xf32, #tpu.memory_space<vmem>>, vector<1x1x16xf32>,
        %parallel_loop3A_428 = vector.shape_cast %parallel_loop3A_427 : vector<1x1x16xf32> to vector<16xf32>
        %parallel_loop3A_429 = arith.addf %parallel_loop3A_423, %parallel_loop3A_428 : vector<16xf32>
        %parallel_loop3A_430 = arith.constant 0.000000e+00 : f32
        %parallel_loop3A_431 = vector.broadcast %parallel_loop3A_430 : f32 to vector<16xf32>
        %parallel_loop3A_432 = arith.maximumf %parallel_loop3A_429, %parallel_loop3A_431 : vector<16xf32>
        %parallel_loop3A_433 = arith.index_cast %rem3A_150 : i32 to index
        %parallel_loop3A_434 = arith.index_cast %parallel_loop3A_298 : i32 to index
        %parallel_loop3A_435 = arith.constant 64 : index
        %parallel_loop3A_436 = tpu.vector_load %arg11[%parallel_loop3A_433, %parallel_loop3A_434, %parallel_loop3A_435] {strides = array<i32>} : memref<2x32x128xf32, #tpu.memory_space<vmem>>, vector<1x1x16xf32>,
        %parallel_loop3A_437 = vector.shape_cast %parallel_loop3A_436 : vector<1x1x16xf32> to vector<16xf32>
        %parallel_loop3A_438 = vector.shape_cast %parallel_loop3A_432 : vector<16xf32> to vector<1x1x16xf32>
        tpu.vector_store %arg11[%parallel_loop3A_433, %parallel_loop3A_434, %parallel_loop3A_435], %parallel_loop3A_438 {strides = array<i32>} : memref<2x32x128xf32, #tpu.memory_space<vmem>>, vector<1x1x16xf32>,
        %parallel_loop3A_439 = arith.index_cast %rem3A_150 : i32 to index
        %parallel_loop3A_440 = arith.index_cast %parallel_loop3A_298 : i32 to index
        %parallel_loop3A_441 = arith.constant 80 : index
        %parallel_loop3A_442 = tpu.vector_load %arg9[%parallel_loop3A_439, %parallel_loop3A_440, %parallel_loop3A_441] {strides = array<i32>} : memref<2x64x128xf32, #tpu.memory_space<vmem>>, vector<1x1x16xf32>,
        %parallel_loop3A_443 = vector.shape_cast %parallel_loop3A_442 : vector<1x1x16xf32> to vector<16xf32>
        %parallel_loop3A_444 = arith.constant 32 : i32
        %parallel_loop3A_445 = arith.addi %parallel_loop3A_444, %parallel_loop3A_298 : i32
        %parallel_loop3A_446 = arith.index_cast %rem3A_150 : i32 to index
        %parallel_loop3A_447 = arith.index_cast %parallel_loop3A_445 : i32 to index
        %parallel_loop3A_448 = arith.constant 80 : index
        %parallel_loop3A_449 = tpu.vector_load %arg9[%parallel_loop3A_446, %parallel_loop3A_447, %parallel_loop3A_448] {strides = array<i32>} : memref<2x64x128xf32, #tpu.memory_space<vmem>>, vector<1x1x16xf32>,
        %parallel_loop3A_450 = vector.shape_cast %parallel_loop3A_449 : vector<1x1x16xf32> to vector<16xf32>
        %parallel_loop3A_451 = arith.addf %parallel_loop3A_443, %parallel_loop3A_450 : vector<16xf32>
        %parallel_loop3A_452 = arith.index_cast %rem3A_150 : i32 to index
        %parallel_loop3A_453 = arith.index_cast %parallel_loop3A_298 : i32 to index
        %parallel_loop3A_454 = arith.constant 80 : index
        %parallel_loop3A_455 = tpu.vector_load %arg10[%parallel_loop3A_452, %parallel_loop3A_453, %parallel_loop3A_454] {strides = array<i32>} : memref<2x32x128xf32, #tpu.memory_space<vmem>>, vector<1x1x16xf32>,
        %parallel_loop3A_456 = vector.shape_cast %parallel_loop3A_455 : vector<1x1x16xf32> to vector<16xf32>
        %parallel_loop3A_457 = arith.addf %parallel_loop3A_451, %parallel_loop3A_456 : vector<16xf32>
        %parallel_loop3A_458 = arith.constant 0.000000e+00 : f32
        %parallel_loop3A_459 = vector.broadcast %parallel_loop3A_458 : f32 to vector<16xf32>
        %parallel_loop3A_460 = arith.maximumf %parallel_loop3A_457, %parallel_loop3A_459 : vector<16xf32>
        %parallel_loop3A_461 = arith.index_cast %rem3A_150 : i32 to index
        %parallel_loop3A_462 = arith.index_cast %parallel_loop3A_298 : i32 to index
        %parallel_loop3A_463 = arith.constant 80 : index
        %parallel_loop3A_464 = tpu.vector_load %arg11[%parallel_loop3A_461, %parallel_loop3A_462, %parallel_loop3A_463] {strides = array<i32>} : memref<2x32x128xf32, #tpu.memory_space<vmem>>, vector<1x1x16xf32>,
        %parallel_loop3A_465 = vector.shape_cast %parallel_loop3A_464 : vector<1x1x16xf32> to vector<16xf32>
        %parallel_loop3A_466 = vector.shape_cast %parallel_loop3A_460 : vector<16xf32> to vector<1x1x16xf32>
        tpu.vector_store %arg11[%parallel_loop3A_461, %parallel_loop3A_462, %parallel_loop3A_463], %parallel_loop3A_466 {strides = array<i32>} : memref<2x32x128xf32, #tpu.memory_space<vmem>>, vector<1x1x16xf32>,
        %parallel_loop3A_467 = arith.index_cast %rem3A_150 : i32 to index
        %parallel_loop3A_468 = arith.index_cast %parallel_loop3A_298 : i32 to index
        %parallel_loop3A_469 = arith.constant 96 : index
        %parallel_loop3A_470 = tpu.vector_load %arg9[%parallel_loop3A_467, %parallel_loop3A_468, %parallel_loop3A_469] {strides = array<i32>} : memref<2x64x128xf32, #tpu.memory_space<vmem>>, vector<1x1x16xf32>,
        %parallel_loop3A_471 = vector.shape_cast %parallel_loop3A_470 : vector<1x1x16xf32> to vector<16xf32>
        %parallel_loop3A_472 = arith.constant 32 : i32
        %parallel_loop3A_473 = arith.addi %parallel_loop3A_472, %parallel_loop3A_298 : i32
        %parallel_loop3A_474 = arith.index_cast %rem3A_150 : i32 to index
        %parallel_loop3A_475 = arith.index_cast %parallel_loop3A_473 : i32 to index
        %parallel_loop3A_476 = arith.constant 96 : index
        %parallel_loop3A_477 = tpu.vector_load %arg9[%parallel_loop3A_474, %parallel_loop3A_475, %parallel_loop3A_476] {strides = array<i32>} : memref<2x64x128xf32, #tpu.memory_space<vmem>>, vector<1x1x16xf32>,
        %parallel_loop3A_478 = vector.shape_cast %parallel_loop3A_477 : vector<1x1x16xf32> to vector<16xf32>
        %parallel_loop3A_479 = arith.addf %parallel_loop3A_471, %parallel_loop3A_478 : vector<16xf32>
        %parallel_loop3A_480 = arith.index_cast %rem3A_150 : i32 to index
        %parallel_loop3A_481 = arith.index_cast %parallel_loop3A_298 : i32 to index
        %parallel_loop3A_482 = arith.constant 96 : index
        %parallel_loop3A_483 = tpu.vector_load %arg10[%parallel_loop3A_480, %parallel_loop3A_481, %parallel_loop3A_482] {strides = array<i32>} : memref<2x32x128xf32, #tpu.memory_space<vmem>>, vector<1x1x16xf32>,
        %parallel_loop3A_484 = vector.shape_cast %parallel_loop3A_483 : vector<1x1x16xf32> to vector<16xf32>
        %parallel_loop3A_485 = arith.addf %parallel_loop3A_479, %parallel_loop3A_484 : vector<16xf32>
        %parallel_loop3A_486 = arith.constant 0.000000e+00 : f32
        %parallel_loop3A_487 = vector.broadcast %parallel_loop3A_486 : f32 to vector<16xf32>
        %parallel_loop3A_488 = arith.maximumf %parallel_loop3A_485, %parallel_loop3A_487 : vector<16xf32>
        %parallel_loop3A_489 = arith.index_cast %rem3A_150 : i32 to index
        %parallel_loop3A_490 = arith.index_cast %parallel_loop3A_298 : i32 to index
        %parallel_loop3A_491 = arith.constant 96 : index
        %parallel_loop3A_492 = tpu.vector_load %arg11[%parallel_loop3A_489, %parallel_loop3A_490, %parallel_loop3A_491] {strides = array<i32>} : memref<2x32x128xf32, #tpu.memory_space<vmem>>, vector<1x1x16xf32>,
        %parallel_loop3A_493 = vector.shape_cast %parallel_loop3A_492 : vector<1x1x16xf32> to vector<16xf32>
        %parallel_loop3A_494 = vector.shape_cast %parallel_loop3A_488 : vector<16xf32> to vector<1x1x16xf32>
        tpu.vector_store %arg11[%parallel_loop3A_489, %parallel_loop3A_490, %parallel_loop3A_491], %parallel_loop3A_494 {strides = array<i32>} : memref<2x32x128xf32, #tpu.memory_space<vmem>>, vector<1x1x16xf32>,
        %parallel_loop3A_495 = arith.index_cast %rem3A_150 : i32 to index
        %parallel_loop3A_496 = arith.index_cast %parallel_loop3A_298 : i32 to index
        %parallel_loop3A_497 = arith.constant 112 : index
        %parallel_loop3A_498 = tpu.vector_load %arg9[%parallel_loop3A_495, %parallel_loop3A_496, %parallel_loop3A_497] {strides = array<i32>} : memref<2x64x128xf32, #tpu.memory_space<vmem>>, vector<1x1x16xf32>,
        %parallel_loop3A_499 = vector.shape_cast %parallel_loop3A_498 : vector<1x1x16xf32> to vector<16xf32>
        %parallel_loop3A_500 = arith.constant 32 : i32
        %parallel_loop3A_501 = arith.addi %parallel_loop3A_500, %parallel_loop3A_298 : i32
        %parallel_loop3A_502 = arith.index_cast %rem3A_150 : i32 to index
        %parallel_loop3A_503 = arith.index_cast %parallel_loop3A_501 : i32 to index
        %parallel_loop3A_504 = arith.constant 112 : index
        %parallel_loop3A_505 = tpu.vector_load %arg9[%parallel_loop3A_502, %parallel_loop3A_503, %parallel_loop3A_504] {strides = array<i32>} : memref<2x64x128xf32, #tpu.memory_space<vmem>>, vector<1x1x16xf32>,
        %parallel_loop3A_506 = vector.shape_cast %parallel_loop3A_505 : vector<1x1x16xf32> to vector<16xf32>
        %parallel_loop3A_507 = arith.addf %parallel_loop3A_499, %parallel_loop3A_506 : vector<16xf32>
        %parallel_loop3A_508 = arith.index_cast %rem3A_150 : i32 to index
        %parallel_loop3A_509 = arith.index_cast %parallel_loop3A_298 : i32 to index
        %parallel_loop3A_510 = arith.constant 112 : index
        %parallel_loop3A_511 = tpu.vector_load %arg10[%parallel_loop3A_508, %parallel_loop3A_509, %parallel_loop3A_510] {strides = array<i32>} : memref<2x32x128xf32, #tpu.memory_space<vmem>>, vector<1x1x16xf32>,
        %parallel_loop3A_512 = vector.shape_cast %parallel_loop3A_511 : vector<1x1x16xf32> to vector<16xf32>
        %parallel_loop3A_513 = arith.addf %parallel_loop3A_507, %parallel_loop3A_512 : vector<16xf32>
        %parallel_loop3A_514 = arith.constant 0.000000e+00 : f32
        %parallel_loop3A_515 = vector.broadcast %parallel_loop3A_514 : f32 to vector<16xf32>
        %parallel_loop3A_516 = arith.maximumf %parallel_loop3A_513, %parallel_loop3A_515 : vector<16xf32>
        %parallel_loop3A_517 = arith.index_cast %rem3A_150 : i32 to index
        %parallel_loop3A_518 = arith.index_cast %parallel_loop3A_298 : i32 to index
        %parallel_loop3A_519 = arith.constant 112 : index
        %parallel_loop3A_520 = tpu.vector_load %arg11[%parallel_loop3A_517, %parallel_loop3A_518, %parallel_loop3A_519] {strides = array<i32>} : memref<2x32x128xf32, #tpu.memory_space<vmem>>, vector<1x1x16xf32>,
        %parallel_loop3A_521 = vector.shape_cast %parallel_loop3A_520 : vector<1x1x16xf32> to vector<16xf32>
        %parallel_loop3A_522 = vector.shape_cast %parallel_loop3A_516 : vector<16xf32> to vector<1x1x16xf32>
        tpu.vector_store %arg11[%parallel_loop3A_517, %parallel_loop3A_518, %parallel_loop3A_519], %parallel_loop3A_522 {strides = array<i32>} : memref<2x32x128xf32, #tpu.memory_space<vmem>>, vector<1x1x16xf32>,
      } {sc.loop_unroll_factor = 16 : i64, sc.parallel_access}
      %eq3A_288 = arith.constant 0 : i32
      %eq3A_289 = arith.cmpi eq, %rem3A_150, %eq3A_288 : i32
      %convert_element_type3A_290 = arith.extui %eq3A_289 : i1 to i32
      %cond3A_291 = arith.constant 0 : i32
      %cond3A_292 = arith.cmpi ne, %convert_element_type3A_290, %cond3A_291 : i32
      scf.if %cond3A_292 {
        %dma_start3A_298 = arith.constant 0 : i32
        %dma_start3A_299 = arith.constant 0 : i32
        %dma_start3A_300 = arith.constant 0 : i32
        %dma_start3A_301 = tpu.memref_slice %arg11[%dma_start3A_298, %dma_start3A_299, %dma_start3A_300] : memref<2x32x128xf32, #tpu.memory_space<vmem>> -> memref<1x32x128xf32, #tpu.memory_space<vmem>>
        %dma_start3A_302 = tpu.memref_squeeze %dma_start3A_301 : memref<1x32x128xf32, #tpu.memory_space<vmem>> -> memref<32x128xf32, #tpu.memory_space<vmem>>
        %dma_start3A_303 = arith.constant 0 : i32
        %dma_start3A_304 = tpu.memref_slice %arg8[%rem3A_152, %dma_start3A_303] : memref<4x32xi32, #tpu.memory_space<vmem>> -> memref<1x32xi32, #tpu.memory_space<vmem>>
        %dma_start3A_305 = tpu.memref_squeeze %dma_start3A_304 : memref<1x32xi32, #tpu.memory_space<vmem>> -> memref<32xi32, #tpu.memory_space<vmem>>
        %dma_start3A_306 = arith.constant 0 : i32
        %dma_start3A_307 = arith.constant 0 : i32
        %dma_start3A_308 = tpu.memref_slice %arg12[%dma_start3A_306, %dma_start3A_307] : memref<10016x128xf32, #tpu.memory_space<vmem_shared>> -> memref<10016x128xf32, #tpu.memory_space<vmem_shared>>
        tpu.enqueue_indirect_dma source(%dma_start3A_302 : memref<32x128xf32, #tpu.memory_space<vmem>>) target(%dma_start3A_308 : memref<10016x128xf32, #tpu.memory_space<vmem_shared>>) offsets(%dma_start3A_305 : memref<32xi32, #tpu.memory_space<vmem>>) semaphore(%arg15 : memref<!tpu.dma_semaphore, #tpu.memory_space<semaphore_mem>>) {add = true}
      } else {
      }
      %eq3A_293 = arith.constant 1 : i32
      %eq3A_294 = arith.cmpi eq, %rem3A_150, %eq3A_293 : i32
      %convert_element_type3A_295 = arith.extui %eq3A_294 : i1 to i32
      %cond3A_296 = arith.constant 0 : i32
      %cond3A_297 = arith.cmpi ne, %convert_element_type3A_295, %cond3A_296 : i32
      scf.if %cond3A_297 {
        %dma_start3A_298 = arith.constant 1 : i32
        %dma_start3A_299 = arith.constant 0 : i32
        %dma_start3A_300 = arith.constant 0 : i32
        %dma_start3A_301 = tpu.memref_slice %arg11[%dma_start3A_298, %dma_start3A_299, %dma_start3A_300] : memref<2x32x128xf32, #tpu.memory_space<vmem>> -> memref<1x32x128xf32, #tpu.memory_space<vmem>>
        %dma_start3A_302 = tpu.memref_squeeze %dma_start3A_301 : memref<1x32x128xf32, #tpu.memory_space<vmem>> -> memref<32x128xf32, #tpu.memory_space<vmem>>
        %dma_start3A_303 = arith.constant 0 : i32
        %dma_start3A_304 = tpu.memref_slice %arg8[%rem3A_152, %dma_start3A_303] : memref<4x32xi32, #tpu.memory_space<vmem>> -> memref<1x32xi32, #tpu.memory_space<vmem>>
        %dma_start3A_305 = tpu.memref_squeeze %dma_start3A_304 : memref<1x32xi32, #tpu.memory_space<vmem>> -> memref<32xi32, #tpu.memory_space<vmem>>
        %dma_start3A_306 = arith.constant 0 : i32
        %dma_start3A_307 = arith.constant 0 : i32
        %dma_start3A_308 = tpu.memref_slice %arg12[%dma_start3A_306, %dma_start3A_307] : memref<10016x128xf32, #tpu.memory_space<vmem_shared>> -> memref<10016x128xf32, #tpu.memory_space<vmem_shared>>
        tpu.enqueue_indirect_dma source(%dma_start3A_302 : memref<32x128xf32, #tpu.memory_space<vmem>>) target(%dma_start3A_308 : memref<10016x128xf32, #tpu.memory_space<vmem_shared>>) offsets(%dma_start3A_305 : memref<32xi32, #tpu.memory_space<vmem>>) semaphore(%arg16 : memref<!tpu.dma_semaphore, #tpu.memory_space<semaphore_mem>>) {add = true}
      } else {
      }
    }
    %scan3A_111 = arith.constant 320 : i32
    %dma_wait3A = arith.constant 0 : i32
    %dma_wait3A_112 = arith.constant 0 : i32
    %dma_wait3A_113 = arith.constant 0 : i32
    %dma_wait3A_114 = arith.constant 0 : i32
    %dma_wait3A_115 = tpu.memref_slice %arg11[%dma_wait3A, %dma_wait3A_113, %dma_wait3A_114] : memref<2x32x128xf32, #tpu.memory_space<vmem>> -> memref<1x32x128xf32, #tpu.memory_space<vmem>>
    %dma_wait3A_116 = tpu.memref_squeeze %dma_wait3A_115 : memref<1x32x128xf32, #tpu.memory_space<vmem>> -> memref<32x128xf32, #tpu.memory_space<vmem>>
    %dma_wait3A_117 = arith.constant 0 : i32
    %dma_wait3A_118 = tpu.memref_slice %arg8[%dma_wait3A_112, %dma_wait3A_117] : memref<4x32xi32, #tpu.memory_space<vmem>> -> memref<1x32xi32, #tpu.memory_space<vmem>>
    %dma_wait3A_119 = tpu.memref_squeeze %dma_wait3A_118 : memref<1x32xi32, #tpu.memory_space<vmem>> -> memref<32xi32, #tpu.memory_space<vmem>>
    %dma_wait3A_120 = arith.constant 0 : i32
    %dma_wait3A_121 = arith.constant 0 : i32
    %dma_wait3A_122 = tpu.memref_slice %arg12[%dma_wait3A_120, %dma_wait3A_121] : memref<10016x128xf32, #tpu.memory_space<vmem_shared>> -> memref<10016x128xf32, #tpu.memory_space<vmem_shared>>
    tpu.wait_indirect_dma semaphore(%arg15 : memref<!tpu.dma_semaphore, #tpu.memory_space<semaphore_mem>>) src(%dma_wait3A_116 : memref<32x128xf32, #tpu.memory_space<vmem>>) dst(%dma_wait3A_122 : memref<10016x128xf32, #tpu.memory_space<vmem_shared>>)
    %dma_wait3A_123 = arith.constant 1 : i32
    %dma_wait3A_124 = arith.constant 1 : i32
    %dma_wait3A_125 = arith.constant 0 : i32
    %dma_wait3A_126 = arith.constant 0 : i32
    %dma_wait3A_127 = tpu.memref_slice %arg11[%dma_wait3A_123, %dma_wait3A_125, %dma_wait3A_126] : memref<2x32x128xf32, #tpu.memory_space<vmem>> -> memref<1x32x128xf32, #tpu.memory_space<vmem>>
    %dma_wait3A_128 = tpu.memref_squeeze %dma_wait3A_127 : memref<1x32x128xf32, #tpu.memory_space<vmem>> -> memref<32x128xf32, #tpu.memory_space<vmem>>
    %dma_wait3A_129 = arith.constant 0 : i32
    %dma_wait3A_130 = tpu.memref_slice %arg8[%dma_wait3A_124, %dma_wait3A_129] : memref<4x32xi32, #tpu.memory_space<vmem>> -> memref<1x32xi32, #tpu.memory_space<vmem>>
    %dma_wait3A_131 = tpu.memref_squeeze %dma_wait3A_130 : memref<1x32xi32, #tpu.memory_space<vmem>> -> memref<32xi32, #tpu.memory_space<vmem>>
    %dma_wait3A_132 = arith.constant 0 : i32
    %dma_wait3A_133 = arith.constant 0 : i32
    %dma_wait3A_134 = tpu.memref_slice %arg12[%dma_wait3A_132, %dma_wait3A_133] : memref<10016x128xf32, #tpu.memory_space<vmem_shared>> -> memref<10016x128xf32, #tpu.memory_space<vmem_shared>>
    tpu.wait_indirect_dma semaphore(%arg16 : memref<!tpu.dma_semaphore, #tpu.memory_space<semaphore_mem>>) src(%dma_wait3A_128 : memref<32x128xf32, #tpu.memory_space<vmem>>) dst(%dma_wait3A_134 : memref<10016x128xf32, #tpu.memory_space<vmem_shared>>)
    %barrier3A_135 = arith.constant 0 : index
    tpu.barrier barrier_id(%barrier3A_135)
    %mul3A_136 = arith.constant 624 : i32
    %mul3A_137 = arith.muli %arg1, %mul3A_136 : i32
    %mul3A_138 = arith.constant 10000 : i32
    %mul3A_139 = arith.muli %arg0, %mul3A_138 : i32
    %mul3A_140 = arith.constant 624 : i32
    %mul3A_141 = arith.muli %arg1, %mul3A_140 : i32
    %add3A_142 = arith.addi %mul3A_139, %mul3A_141 : i32
    "tpu.region"() ({
      %run_scoped3A_148 = tpu.sem_alloc : memref<!tpu.dma_semaphore, #tpu.memory_space<semaphore_mem>>
      %dma_start3A_149 = arith.constant 0 : i32
      %dma_start3A_150 = tpu.memref_slice %arg5[%add3A_142, %dma_start3A_149] : memref<20000x128xf32, #tpu.memory_space<hbm>> -> memref<624x128xf32, #tpu.memory_space<hbm>>
      %dma_start3A_151 = arith.constant 0 : i32
      %dma_start3A_152 = tpu.memref_slice %arg12[%mul3A_137, %dma_start3A_151] : memref<10016x128xf32, #tpu.memory_space<vmem_shared>> -> memref<624x128xf32, #tpu.memory_space<vmem_shared>>
      tpu.enqueue_dma source(%dma_start3A_152 : memref<624x128xf32, #tpu.memory_space<vmem_shared>>) target(%dma_start3A_150 : memref<624x128xf32, #tpu.memory_space<hbm>>) target_semaphore(%run_scoped3A_148 : memref<!tpu.dma_semaphore, #tpu.memory_space<semaphore_mem>>)
      %dma_wait3A_153 = arith.constant 0 : i32
      %dma_wait3A_154 = tpu.memref_slice %arg5[%add3A_142, %dma_wait3A_153] : memref<20000x128xf32, #tpu.memory_space<hbm>> -> memref<624x128xf32, #tpu.memory_space<hbm>>
      %dma_wait3A_155 = arith.constant 0 : i32
      %dma_wait3A_156 = tpu.memref_slice %arg12[%mul3A_137, %dma_wait3A_155] : memref<10016x128xf32, #tpu.memory_space<vmem_shared>> -> memref<624x128xf32, #tpu.memory_space<vmem_shared>>
      tpu.wait_dma2 semaphore(%run_scoped3A_148 : memref<!tpu.dma_semaphore, #tpu.memory_space<semaphore_mem>>) src(%dma_wait3A_156 : memref<624x128xf32, #tpu.memory_space<vmem_shared>>) dst(%dma_wait3A_154 : memref<624x128xf32, #tpu.memory_space<hbm>>)
      tpu.yield
    }) : () -> ()
    %eq3A_143 = arith.constant 15 : i32
    %eq3A_144 = arith.cmpi eq, %arg1, %eq3A_143 : i32
    %convert_element_type3A_145 = arith.extui %eq3A_144 : i1 to i32
    %cond3A_146 = arith.constant 0 : i32
    %cond3A_147 = arith.cmpi ne, %convert_element_type3A_145, %cond3A_146 : i32
    scf.if %cond3A_147 {
      %mul3A_148 = arith.constant 10000 : i32
      %mul3A_149 = arith.muli %arg0, %mul3A_148 : i32
      %add3A_150 = arith.constant 9984 : i32
      %add3A_151 = arith.addi %mul3A_149, %add3A_150 : i32
      "tpu.region"() ({
        %run_scoped3A_152 = tpu.sem_alloc : memref<!tpu.dma_semaphore, #tpu.memory_space<semaphore_mem>>
        %dma_start3A_153 = arith.constant 0 : i32
        %dma_start3A_154 = tpu.memref_slice %arg5[%add3A_151, %dma_start3A_153] : memref<20000x128xf32, #tpu.memory_space<hbm>> -> memref<16x128xf32, #tpu.memory_space<hbm>>
        %dma_start3A_155 = arith.constant 9984 : i32
        %dma_start3A_156 = arith.constant 0 : i32
        %dma_start3A_157 = tpu.memref_slice %arg12[%dma_start3A_155, %dma_start3A_156] : memref<10016x128xf32, #tpu.memory_space<vmem_shared>> -> memref<16x128xf32, #tpu.memory_space<vmem_shared>>
        tpu.enqueue_dma source(%dma_start3A_157 : memref<16x128xf32, #tpu.memory_space<vmem_shared>>) target(%dma_start3A_154 : memref<16x128xf32, #tpu.memory_space<hbm>>) target_semaphore(%run_scoped3A_152 : memref<!tpu.dma_semaphore, #tpu.memory_space<semaphore_mem>>)
        %dma_wait3A_158 = arith.constant 0 : i32
        %dma_wait3A_159 = tpu.memref_slice %arg5[%add3A_151, %dma_wait3A_158] : memref<20000x128xf32, #tpu.memory_space<hbm>> -> memref<16x128xf32, #tpu.memory_space<hbm>>
        %dma_wait3A_160 = arith.constant 9984 : i32
        %dma_wait3A_161 = arith.constant 0 : i32
        %dma_wait3A_162 = tpu.memref_slice %arg12[%dma_wait3A_160, %dma_wait3A_161] : memref<10016x128xf32, #tpu.memory_space<vmem_shared>> -> memref<16x128xf32, #tpu.memory_space<vmem_shared>>
        tpu.wait_dma2 semaphore(%run_scoped3A_152 : memref<!tpu.dma_semaphore, #tpu.memory_space<semaphore_mem>>) src(%dma_wait3A_162 : memref<16x128xf32, #tpu.memory_space<vmem_shared>>) dst(%dma_wait3A_159 : memref<16x128xf32, #tpu.memory_space<hbm>>)
        tpu.yield
      }) : () -> ()
    } else {
    }
    return
  }
}

module attributes {stable_mosaic.version = 14 : i64} {
  func.func @_pre_body(%arg0: i32, %arg1: memref<640x128xf32, #tpu.memory_space<vmem>>, %arg2: memref<10000x16xf32, #tpu.memory_space<vmem>>, %arg3: memref<1x1x1x10000xi32, #tpu.memory_space<vmem>>, %arg4: memref<1x1x1x10000xi32, #tpu.memory_space<vmem>>, %arg5: memref<128x128xf32, #tpu.memory_space<vmem>>, %arg6: memref<128x128xf32, #tpu.memory_space<vmem>>, %arg7: memref<16x128xf32, #tpu.memory_space<vmem>>, %arg8: memref<8x128xf32, #tpu.memory_space<vmem>>, %arg9: memref<640x128xf32, #tpu.memory_space<vmem>>, %arg10: memref<10240x128xf32, #tpu.memory_space<vmem>>, %arg11: memref<1x1x10240xi32, #tpu.memory_space<vmem>>) attributes {dimension_semantics = [#tpu.dimension_semantics<arbitrary>], iteration_bounds = array<i64: 32>, scalar_prefetch = 0 : i64, scratch_operands = 0 : i64, tpu.core_type = #tpu.core_type<tc>, window_params = [{transform_indices = @transform_0, window_bounds = array<i64: 640, 128>}, {transform_indices = @transform_1, window_bounds = array<i64: 10000, 16>}, {transform_indices = @transform_2, window_bounds = array<i64: 1, 1, 1, 10000>}, {transform_indices = @transform_3, window_bounds = array<i64: 1, 1, 1, 10000>}, {pipeline_mode = #tpu.pipeline_mode<synchronous>, transform_indices = @transform_4, window_bounds = array<i64: 128, 128>}, {pipeline_mode = #tpu.pipeline_mode<synchronous>, transform_indices = @transform_5, window_bounds = array<i64: 128, 128>}, {pipeline_mode = #tpu.pipeline_mode<synchronous>, transform_indices = @transform_6, window_bounds = array<i64: 16, 128>}, {pipeline_mode = #tpu.pipeline_mode<synchronous>, transform_indices = @transform_7, window_bounds = array<i64: 8, 128>}, {transform_indices = @transform_8, window_bounds = array<i64: 640, 128>}, {transform_indices = @transform_9, window_bounds = array<i64: 10240, 128>}, {transform_indices = @transform_10, window_bounds = array<i64: 1, 1, 10240>}]} {
    %lt3A = arith.constant 16 : i32
    %lt3A_0 = arith.cmpi slt, %arg0, %lt3A : i32
    %get3A = arith.constant 0 : index
    %get3A_1 = arith.constant 0 : index
    %get3A_2 = vector.load %arg5[%get3A, %get3A_1] : memref<128x128xf32, #tpu.memory_space<vmem>>, vector<128x128xf32>
    %get3A_3 = arith.constant 0 : index
    %get3A_4 = arith.constant 0 : index
    %get3A_5 = vector.load %arg6[%get3A_3, %get3A_4] : memref<128x128xf32, #tpu.memory_space<vmem>>, vector<128x128xf32>
    %select_n3A = arith.select %lt3A_0, %get3A_2, %get3A_5 : vector<128x128xf32>
    %get3A_6 = arith.constant 0 : index
    %get3A_7 = arith.constant 0 : index
    %get3A_8 = vector.load %arg1[%get3A_6, %get3A_7] : memref<640x128xf32, #tpu.memory_space<vmem>>, vector<640x128xf32>
    %dot_general3A = arith.constant dense<0.000000e+00> : vector<640x128xf32>
    %dot_general3A_9 = tpu.matmul %get3A_8, %select_n3A, %dot_general3A {dimension_numbers = #tpu.dot_dimension_numbers<[1], [0], [0], [1], [0, 0, 1, 1], [], []>, transpose_lhs_hint = false} : vector<640x128xf32>, vector<128x128xf32>, vector<640x128xf32> -> vector<640x128xf32>
    %swap3A = arith.constant 0 : index
    %swap3A_10 = arith.constant 0 : index
    %swap3A_11 = vector.load %arg9[%swap3A, %swap3A_10] : memref<640x128xf32, #tpu.memory_space<vmem>>, vector<640x128xf32>
    tpu.vector_store %arg9[%swap3A, %swap3A_10], %dot_general3A_9 {strides = array<i32>} : memref<640x128xf32, #tpu.memory_space<vmem>>, vector<640x128xf32>,
    %get3A_12 = arith.constant 0 : index
    %get3A_13 = arith.constant 0 : index
    %get3A_14 = vector.load %arg8[%get3A_12, %get3A_13] : memref<8x128xf32, #tpu.memory_space<vmem>>, vector<1x128xf32>
    %get3A_15 = arith.constant 0 : index
    %get3A_16 = arith.constant 0 : index
    %get3A_17 = vector.load %arg2[%get3A_15, %get3A_16] : memref<10000x16xf32, #tpu.memory_space<vmem>>, vector<10000x16xf32>
    %get3A_18 = arith.constant 0 : index
    %get3A_19 = arith.constant 0 : index
    %get3A_20 = vector.load %arg7[%get3A_18, %get3A_19] : memref<16x128xf32, #tpu.memory_space<vmem>>, vector<16x128xf32>
    %dot_general3A_21 = arith.constant dense<0.000000e+00> : vector<10000x128xf32>
    %dot_general3A_22 = tpu.matmul %get3A_17, %get3A_20, %dot_general3A_21 {dimension_numbers = #tpu.dot_dimension_numbers<[1], [0], [0], [1], [0, 0, 1, 1], [], []>, transpose_lhs_hint = false} : vector<10000x16xf32>, vector<16x128xf32>, vector<10000x128xf32> -> vector<10000x128xf32>
    %add3A = vector.broadcast %get3A_14 : vector<1x128xf32> to vector<10000x128xf32>
    %add3A_23 = arith.addf %dot_general3A_22, %add3A : vector<10000x128xf32>
    %swap3A_24 = arith.constant 0 : index
    %swap3A_25 = arith.constant 0 : index
    %swap3A_26 = vector.load %arg10[%swap3A_24, %swap3A_25] : memref<10240x128xf32, #tpu.memory_space<vmem>>, vector<10000x128xf32>
    tpu.vector_store %arg10[%swap3A_24, %swap3A_25], %add3A_23 {strides = array<i32>} : memref<10240x128xf32, #tpu.memory_space<vmem>>, vector<10000x128xf32>,
    %broadcast_in_dim3A = vector.shape_cast %get3A_14 : vector<1x128xf32> to vector<1x128xf32>
    %broadcast_in_dim3A_27 = vector.broadcast %broadcast_in_dim3A : vector<1x128xf32> to vector<240x128xf32>
    %swap3A_28 = arith.constant 10000 : index
    %swap3A_29 = arith.constant 0 : index
    %swap3A_30 = vector.load %arg10[%swap3A_28, %swap3A_29] : memref<10240x128xf32, #tpu.memory_space<vmem>>, vector<240x128xf32>
    tpu.vector_store %arg10[%swap3A_28, %swap3A_29], %broadcast_in_dim3A_27 {strides = array<i32>} : memref<10240x128xf32, #tpu.memory_space<vmem>>, vector<240x128xf32>,
    %get3A_31 = arith.constant 0 : index
    %get3A_32 = arith.constant 0 : index
    %get3A_33 = arith.constant 0 : index
    %get3A_34 = arith.constant 0 : index
    %get3A_35 = vector.load %arg3[%get3A_31, %get3A_32, %get3A_33, %get3A_34] : memref<1x1x1x10000xi32, #tpu.memory_space<vmem>>, vector<1x1x1x10000xi32>
    %get3A_36 = vector.shape_cast %get3A_35 : vector<1x1x1x10000xi32> to vector<1x10000xi32>
    %shift_left3A = arith.constant 16 : i32
    %shift_left3A_37 = vector.broadcast %shift_left3A : i32 to vector<1x10000xi32>
    %shift_left3A_38 = arith.shli %get3A_36, %shift_left3A_37 : vector<1x10000xi32>
    %get3A_39 = arith.constant 0 : index
    %get3A_40 = arith.constant 0 : index
    %get3A_41 = arith.constant 0 : index
    %get3A_42 = arith.constant 0 : index
    %get3A_43 = vector.load %arg4[%get3A_39, %get3A_40, %get3A_41, %get3A_42] : memref<1x1x1x10000xi32, #tpu.memory_space<vmem>>, vector<1x1x1x10000xi32>
    %get3A_44 = vector.shape_cast %get3A_43 : vector<1x1x1x10000xi32> to vector<1x10000xi32>
    %or3A = arith.ori %shift_left3A_38, %get3A_44 : vector<1x10000xi32>
    %swap3A_45 = arith.constant 0 : index
    %swap3A_46 = arith.constant 0 : index
    %swap3A_47 = arith.constant 0 : index
    %swap3A_48 = vector.load %arg11[%swap3A_45, %swap3A_46, %swap3A_47] : memref<1x1x10240xi32, #tpu.memory_space<vmem>>, vector<1x1x10000xi32>
    %swap3A_49 = vector.shape_cast %swap3A_48 : vector<1x1x10000xi32> to vector<1x10000xi32>
    %swap3A_50 = vector.shape_cast %or3A : vector<1x10000xi32> to vector<1x1x10000xi32>
    tpu.vector_store %arg11[%swap3A_45, %swap3A_46, %swap3A_47], %swap3A_50 {strides = array<i32>} : memref<1x1x10240xi32, #tpu.memory_space<vmem>>, vector<1x1x10000xi32>,
    %broadcast_in_dim3A_51 = arith.constant 10000 : i32
    %broadcast_in_dim3A_52 = vector.broadcast %broadcast_in_dim3A_51 : i32 to vector<1x240xi32>
    %swap3A_53 = arith.constant 0 : index
    %swap3A_54 = arith.constant 0 : index
    %swap3A_55 = arith.constant 10000 : index
    %swap3A_56 = vector.load %arg11[%swap3A_53, %swap3A_54, %swap3A_55] : memref<1x1x10240xi32, #tpu.memory_space<vmem>>, vector<1x1x240xi32>
    %swap3A_57 = vector.shape_cast %swap3A_56 : vector<1x1x240xi32> to vector<1x240xi32>
    %swap3A_58 = vector.shape_cast %broadcast_in_dim3A_52 : vector<1x240xi32> to vector<1x1x240xi32>
    tpu.vector_store %arg11[%swap3A_53, %swap3A_54, %swap3A_55], %swap3A_58 {strides = array<i32>} : memref<1x1x10240xi32, #tpu.memory_space<vmem>>, vector<1x1x240xi32>,
    return
  }
  func.func @transform_0(%arg0: i32) -> (i32, i32) {
    %jit3A = arith.constant 16 : i32
    %eq3A = arith.constant 0 : i32
    %eq3A_0 = arith.cmpi eq, %jit3A, %eq3A : i32
    %jit3A_1 = arith.constant 1 : i32
    %select_n3A = arith.select %eq3A_0, %jit3A_1, %jit3A : i32
    %rem3A = arith.remsi %arg0, %select_n3A : i32
    %ne3A = arith.constant 0 : i32
    %ne3A_2 = arith.cmpi ne, %rem3A, %ne3A : i32
    %lt3A = arith.constant 0 : i32
    %lt3A_3 = arith.cmpi slt, %rem3A, %lt3A : i32
    %lt3A_4 = arith.constant 0 : i32
    %lt3A_5 = arith.cmpi slt, %select_n3A, %lt3A_4 : i32
    %ne3A_6 = arith.xori %lt3A_3, %lt3A_5 : i1
    %and3A = arith.andi %ne3A_6, %ne3A_2 : i1
    %add3A = arith.addi %rem3A, %select_n3A : i32
    %select_n3A_7 = arith.select %and3A, %add3A, %rem3A : i32
    %c0_i32 = arith.constant 0 : i32
    %c0_i32_8 = arith.constant 0 : i32
    return %select_n3A_7, %c0_i32 : i32, i32
  }
  func.func @transform_1(%arg0: i32) -> (i32, i32) {
    %c0_i32 = arith.constant 0 : i32
    %c0_i32_0 = arith.constant 0 : i32
    return %arg0, %c0_i32 : i32, i32
  }
  func.func @transform_2(%arg0: i32) -> (i32, i32, i32, i32) {
    %c0_i32 = arith.constant 0 : i32
    %c0_i32_0 = arith.constant 0 : i32
    %c0_i32_1 = arith.constant 0 : i32
    %c0_i32_2 = arith.constant 0 : i32
    return %c0_i32, %arg0, %c0_i32_0, %c0_i32_1 : i32, i32, i32, i32
  }
  func.func @transform_3(%arg0: i32) -> (i32, i32, i32, i32) {
    %c1_i32 = arith.constant 1 : i32
    %c0_i32 = arith.constant 0 : i32
    %c0_i32_0 = arith.constant 0 : i32
    %c0_i32_1 = arith.constant 0 : i32
    return %c1_i32, %arg0, %c0_i32, %c0_i32_0 : i32, i32, i32, i32
  }
  func.func @transform_4(%arg0: i32) -> (i32, i32) {
    %c0_i32 = arith.constant 0 : i32
    %c0_i32_0 = arith.constant 0 : i32
    %c0_i32_1 = arith.constant 0 : i32
    return %c0_i32, %c0_i32_0 : i32, i32
  }
  func.func @transform_5(%arg0: i32) -> (i32, i32) {
    %c0_i32 = arith.constant 0 : i32
    %c0_i32_0 = arith.constant 0 : i32
    %c0_i32_1 = arith.constant 0 : i32
    return %c0_i32, %c0_i32_0 : i32, i32
  }
  func.func @transform_6(%arg0: i32) -> (i32, i32) {
    %c0_i32 = arith.constant 0 : i32
    %c0_i32_0 = arith.constant 0 : i32
    %c0_i32_1 = arith.constant 0 : i32
    return %c0_i32, %c0_i32_0 : i32, i32
  }
  func.func @transform_7(%arg0: i32) -> (i32, i32) {
    %c0_i32 = arith.constant 0 : i32
    %c0_i32_0 = arith.constant 0 : i32
    %c0_i32_1 = arith.constant 0 : i32
    return %c0_i32, %c0_i32_0 : i32, i32
  }
  func.func @transform_8(%arg0: i32) -> (i32, i32) {
    %c0_i32 = arith.constant 0 : i32
    %c0_i32_0 = arith.constant 0 : i32
    return %arg0, %c0_i32 : i32, i32
  }
  func.func @transform_9(%arg0: i32) -> (i32, i32) {
    %c0_i32 = arith.constant 0 : i32
    %c0_i32_0 = arith.constant 0 : i32
    return %arg0, %c0_i32 : i32, i32
  }
  func.func @transform_10(%arg0: i32) -> (i32, i32, i32) {
    %c0_i32 = arith.constant 0 : i32
    %c0_i32_0 = arith.constant 0 : i32
    %c0_i32_1 = arith.constant 0 : i32
    return %arg0, %c0_i32, %c0_i32_0 : i32, i32, i32
  }
}

module attributes {stable_mosaic.version = 14 : i64} {
  func.func @_out_body(%arg0: i32, %arg1: memref<1000x128xf32, #tpu.memory_space<vmem>>, %arg2: memref<1000x128xf32, #tpu.memory_space<vmem>>, %arg3: memref<1000x128xf32, #tpu.memory_space<vmem>>, %arg4: memref<128x128xf32, #tpu.memory_space<vmem>>, %arg5: memref<128x128xf32, #tpu.memory_space<vmem>>, %arg6: memref<8x128xf32, #tpu.memory_space<vmem>>, %arg7: memref<1000x128xf32, #tpu.memory_space<vmem>>) attributes {dimension_semantics = [#tpu.dimension_semantics<arbitrary>], iteration_bounds = array<i64: 10>, scalar_prefetch = 0 : i64, scratch_operands = 0 : i64, tpu.core_type = #tpu.core_type<tc>, window_params = [{transform_indices = @transform_0, window_bounds = array<i64: 1000, 128>}, {transform_indices = @transform_1, window_bounds = array<i64: 1000, 128>}, {transform_indices = @transform_2, window_bounds = array<i64: 1000, 128>}, {pipeline_mode = #tpu.pipeline_mode<synchronous>, transform_indices = @transform_3, window_bounds = array<i64: 128, 128>}, {pipeline_mode = #tpu.pipeline_mode<synchronous>, transform_indices = @transform_4, window_bounds = array<i64: 128, 128>}, {pipeline_mode = #tpu.pipeline_mode<synchronous>, transform_indices = @transform_5, window_bounds = array<i64: 8, 128>}, {transform_indices = @transform_6, window_bounds = array<i64: 1000, 128>}]} {
    %get3A = arith.constant 0 : index
    %get3A_0 = arith.constant 0 : index
    %get3A_1 = vector.load %arg1[%get3A, %get3A_0] : memref<1000x128xf32, #tpu.memory_space<vmem>>, vector<1000x128xf32>
    %get3A_2 = arith.constant 0 : index
    %get3A_3 = arith.constant 0 : index
    %get3A_4 = vector.load %arg4[%get3A_2, %get3A_3] : memref<128x128xf32, #tpu.memory_space<vmem>>, vector<128x128xf32>
    %dot_general3A = arith.constant dense<0.000000e+00> : vector<1000x128xf32>
    %dot_general3A_5 = tpu.matmul %get3A_1, %get3A_4, %dot_general3A {dimension_numbers = #tpu.dot_dimension_numbers<[1], [0], [0], [1], [0, 0, 1, 1], [], []>, transpose_lhs_hint = false} : vector<1000x128xf32>, vector<128x128xf32>, vector<1000x128xf32> -> vector<1000x128xf32>
    %get3A_6 = arith.constant 0 : index
    %get3A_7 = arith.constant 0 : index
    %get3A_8 = vector.load %arg2[%get3A_6, %get3A_7] : memref<1000x128xf32, #tpu.memory_space<vmem>>, vector<1000x128xf32>
    %get3A_9 = arith.constant 0 : index
    %get3A_10 = arith.constant 0 : index
    %get3A_11 = vector.load %arg3[%get3A_9, %get3A_10] : memref<1000x128xf32, #tpu.memory_space<vmem>>, vector<1000x128xf32>
    %add3A = arith.addf %get3A_8, %get3A_11 : vector<1000x128xf32>
    %get3A_12 = arith.constant 0 : index
    %get3A_13 = arith.constant 0 : index
    %get3A_14 = vector.load %arg5[%get3A_12, %get3A_13] : memref<128x128xf32, #tpu.memory_space<vmem>>, vector<128x128xf32>
    %dot_general3A_15 = arith.constant dense<0.000000e+00> : vector<1000x128xf32>
    %dot_general3A_16 = tpu.matmul %add3A, %get3A_14, %dot_general3A_15 {dimension_numbers = #tpu.dot_dimension_numbers<[1], [0], [0], [1], [0, 0, 1, 1], [], []>, transpose_lhs_hint = false} : vector<1000x128xf32>, vector<128x128xf32>, vector<1000x128xf32> -> vector<1000x128xf32>
    %add3A_17 = arith.addf %dot_general3A_5, %dot_general3A_16 : vector<1000x128xf32>
    %get3A_18 = arith.constant 0 : index
    %get3A_19 = arith.constant 0 : index
    %get3A_20 = vector.load %arg6[%get3A_18, %get3A_19] : memref<8x128xf32, #tpu.memory_space<vmem>>, vector<1x128xf32>
    %add3A_21 = vector.broadcast %get3A_20 : vector<1x128xf32> to vector<1000x128xf32>
    %add3A_22 = arith.addf %add3A_17, %add3A_21 : vector<1000x128xf32>
    %max3A = arith.constant 0.000000e+00 : f32
    %max3A_23 = vector.broadcast %max3A : f32 to vector<1000x128xf32>
    %max3A_24 = arith.maximumf %add3A_22, %max3A_23 : vector<1000x128xf32>
    %swap3A = arith.constant 0 : index
    %swap3A_25 = arith.constant 0 : index
    %swap3A_26 = vector.load %arg7[%swap3A, %swap3A_25] : memref<1000x128xf32, #tpu.memory_space<vmem>>, vector<1000x128xf32>
    tpu.vector_store %arg7[%swap3A, %swap3A_25], %max3A_24 {strides = array<i32>} : memref<1000x128xf32, #tpu.memory_space<vmem>>, vector<1000x128xf32>,
    return
  }
  func.func @transform_0(%arg0: i32) -> (i32, i32) {
    %c0_i32 = arith.constant 0 : i32
    %c0_i32_0 = arith.constant 0 : i32
    return %arg0, %c0_i32 : i32, i32
  }
  func.func @transform_1(%arg0: i32) -> (i32, i32) {
    %c0_i32 = arith.constant 0 : i32
    %c0_i32_0 = arith.constant 0 : i32
    return %arg0, %c0_i32 : i32, i32
  }
  func.func @transform_2(%arg0: i32) -> (i32, i32) {
    %add3A = arith.constant 10 : i32
    %add3A_0 = arith.addi %arg0, %add3A : i32
    %c0_i32 = arith.constant 0 : i32
    %c0_i32_1 = arith.constant 0 : i32
    return %add3A_0, %c0_i32 : i32, i32
  }
  func.func @transform_3(%arg0: i32) -> (i32, i32) {
    %c0_i32 = arith.constant 0 : i32
    %c0_i32_0 = arith.constant 0 : i32
    %c0_i32_1 = arith.constant 0 : i32
    return %c0_i32, %c0_i32_0 : i32, i32
  }
  func.func @transform_4(%arg0: i32) -> (i32, i32) {
    %c0_i32 = arith.constant 0 : i32
    %c0_i32_0 = arith.constant 0 : i32
    %c0_i32_1 = arith.constant 0 : i32
    return %c0_i32, %c0_i32_0 : i32, i32
  }
  func.func @transform_5(%arg0: i32) -> (i32, i32) {
    %c0_i32 = arith.constant 0 : i32
    %c0_i32_0 = arith.constant 0 : i32
    %c0_i32_1 = arith.constant 0 : i32
    return %c0_i32, %c0_i32_0 : i32, i32
  }
  func.func @transform_6(%arg0: i32) -> (i32, i32) {
    %c0_i32 = arith.constant 0 : i32
    %c0_i32_0 = arith.constant 0 : i32
    return %arg0, %c0_i32 : i32, i32
  }
}

</mosaic_0001>

<sc_bundles>
// kernel: kernel.5.cloned.1.call-start
scs
__scs_entry_jumppad:
0x0: {  	(pc) =	sbr.rel $0x88, $3  }
0x1: {  	(tag) =	ssettag $0x0;
	lr =	simm.s32 $0x1  }
0x2: {  	[smem:$0x3F9A] =	sst lr;
	_ =	strace $0xD0000000  }
0x3: {  	_ = 	snop  }
0x4: {  	_ = 	snop  }
0x5: {  	_ = 	snop  }
0x6: {  	_ = 	snop  }
0x7: {  	_ = 	snop  }
__scs_overlays_trampoline_lowered:
0x8: {  	[smem:$0x3FA9] =	sst s0  }
0x9: {  	[smem:$0x3FAA] =	sst s1  }
0xa: {  	[smem:$0x3FAB] =	sst s2  }
0xb: {  	[smem:$0x3FAC] =	sst s3  }
0xc: {  	[smem:$0x3FAD] =	sst s4  }
0xd: {  	[smem:$0x3FAE] =	sst s5  }
0xe: {  	[smem:$0x3FAF] =	sst s6  }
0xf: {  	[smem:$0x3FB0] =	sst s7  }
0x10: {  	[smem:$0x3FB1] =	sst s8  }
0x11: {  	[smem:$0x3FB2] =	sst s9;
	s0 =	simm.s32 @!p0 $0x0  }
0x12: {  	s1 =	sld [smem:$0x3F98];
	s0 =	simm.s32 @p0 $0x1  }
0x13: {  	[smem:$0x3FB3] =	sst s0;
	s0 =	simm.s32 @!p1 $0x0  }
0x14: {  	s2 =	sld [smem:$0x3F97];
	s0 =	simm.s32 @p1 $0x1  }
0x15: {  	[smem:$0x3FB4] =	sst s0;
	s0 =	simm.s32 @!p2 $0x0  }
0x16: {  	s3 =	sld [smem:$0x3FDB];
	s0 =	simm.s32 @p2 $0x1  }
0x17: {  	s4 =	simm.s32 $0x1BF5;
	[smem:$0x3FB6] =	sst s0  }
0x18: {  	s0 =	sld [smem:$0x3F99];
	_ =	swait.ge [sflag:s4], $0x0  }
0x19: {  	s7 =	sld [smem:$0x3F9A]  }
0x1a: {  	s8 =	sadd.s32 $0xFFFFE003, lr  }
0x1b: {  	s9 =	sadd.s32 $0xFFFFFEF7, lr;
	s5 =	simm.s32 $0xFFFFFFFF;
	p2 =	slt.u32 s8, $0xFFFFF086  }
0x1c: {  	p1 =	slt.u32 s9, $0xF7A;
	s5 =	simm.s32 @!p2 $0x0  }
0x1d: {  	s5 =	simm.s32 @p1 $0x1;
	p0 =	seq.s32 s7, s2  }
0x1e: {  	s7 =	smul.u32 @!p0 $0xF7A, s2;
	p2 =	seq.s32 @!p0 s5, $0x0  }
0x1f: {  	s9 =	smul.u32 $0xF7A, s1;
	s8 =	simm.s32 @!p0 $0x1BF5;
	p2 =	por !p2, p0  }
0x20: {  	[sflag:s8] =	ssyncset.s32 @!p0 $0xFFFFF086;
	s6 =	sadd.s32 @!p0 s3, s7;
	s7 =	simm.s32 @!p0 $0x108  }
0x21: {  	s3 =	sadd.s32 s3, s9;
	s6 =	sadd.s32 @!p0 $0x88, s6;
	s7 =	simm.s32 @p2 $0x1082  }
0x22: {  	[simem:s7], [sflag:s8] =	dma.local @!p0 [hbm:s6], $0xF7A  }
0x23: {  	s9 =	sor.u32 $0xD0000000, s2;
	s6 =	simm.s32 $0x108;
	_ =	swait.ge @!p0 [sflag:s8], $0x0  }
0x24: {  	s3 =	sadd.s32 $0x88, s3;
	s6 =	simm.s32 @!p1 $0x1082;
	[sflag:s4] =	ssyncset.s32 $0xFFFFF086  }
0x25: {  	[simem:s6], [sflag:s4] =	dma.local [hbm:s3], $0xF7A  }
0x26: {  	[smem:$0x3F9A] =	sst s1;
	(tag) =	ssettag s2;
	_ =	strace s9  }
0x27: {  	s1 =	sld [smem:$0x3FAA]  }
0x28: {  	s2 =	sld [smem:$0x3FAB]  }
0x29: {  	s4 =	sld [smem:$0x3FAD]  }
0x2a: {  	p0 =	seq.s32 s5, $0x0;
	s5 =	sld [smem:$0x3FAE]  }
0x2b: {  	s6 =	sld [smem:$0x3FAF]  }
0x2c: {  	s7 =	sld [smem:$0x3FB0]  }
0x2d: {  	s3 =	simm.s32 $0x108;
	s8 =	sld [smem:$0x3FB1]  }
0x2e: {  	s3 =	simm.s32 @!p0 $0x1082;
	s9 =	sld [smem:$0x3FB2]  }
0x2f: {  	lr =	sadd.s32 s0, s3;
	s0 =	sld [smem:$0x3FA9]  }
0x30: {  	s3 =	sld [smem:$0x3FAC]  }
0x31: {  	[smem:$0x3FB5] =	sst s10  }
0x32: {  	s10 =	sld [smem:$0x3FB3];
	_ =	sdelay $0x3  }
0x33: {  	p0 =	seq.s32 s10, $0x1;
	s10 =	sld [smem:$0x3FB5];
	_ =	sdelay $0x3  }
0x34: {  	[smem:$0x3FB5] =	sst s10  }
0x35: {  	s10 =	sld [smem:$0x3FB4];
	_ =	sdelay $0x3  }
0x36: {  	p1 =	seq.s32 s10, $0x1;
	s10 =	sld [smem:$0x3FB5];
	_ =	sdelay $0x3  }
0x37: {  	[smem:$0x3FB5] =	sst s10  }
0x38: {  	s10 =	sld [smem:$0x3FB6]  }
0x39: {  	_ = 	snop;
	(pc) =	sbr.ind lr, $3  }
0x3a: {  	_ = 	snop  }
0x3b: {  	_ = 	snop  }
0x3c: {  	p2 =	seq.s32 s10, $0x1;
	s10 =	sld [smem:$0x3FB5]  }
0x3d: {  	_ =	shalt  }
0x3e: {  	_ =	shalt  }
0x3f: {  	_ =	shalt  }
0x40: {  	_ =	shalt  }
0x41: {  	_ =	shalt  }
0x42: {  	_ =	shalt  }
0x43: {  	_ =	shalt  }
0x44: {  	_ =	shalt  }
0x45: {  	_ =	shalt  }
0x46: {  	_ =	shalt  }
0x47: {  	_ =	shalt  }
0x48: {  	_ =	shalt  }
0x49: {  	_ =	shalt  }
0x4a: {  	_ =	shalt  }
0x4b: {  	_ =	shalt  }
0x4c: {  	_ =	shalt  }
0x4d: {  	_ =	shalt  }
0x4e: {  	_ =	shalt  }
0x4f: {  	_ =	shalt  }
0x50: {  	_ =	shalt  }
0x51: {  	_ =	shalt  }
0x52: {  	_ =	shalt  }
0x53: {  	_ =	shalt  }
0x54: {  	_ =	shalt  }
0x55: {  	_ =	shalt  }
0x56: {  	_ =	shalt  }
0x57: {  	_ =	shalt  }
0x58: {  	_ =	shalt  }
0x59: {  	_ =	shalt  }
0x5a: {  	_ =	shalt  }
0x5b: {  	_ =	shalt  }
0x5c: {  	_ =	shalt  }
0x5d: {  	_ =	shalt  }
0x5e: {  	_ =	shalt  }
0x5f: {  	_ =	shalt  }
0x60: {  	_ =	shalt  }
0x61: {  	_ =	shalt  }
0x62: {  	_ =	shalt  }
0x63: {  	_ =	shalt  }
0x64: {  	_ =	shalt  }
0x65: {  	_ =	shalt  }
0x66: {  	_ =	shalt  }
0x67: {  	_ =	shalt  }
0x68: {  	_ =	shalt  }
0x69: {  	_ =	shalt  }
0x6a: {  	_ =	shalt  }
0x6b: {  	_ =	shalt  }
0x6c: {  	_ =	shalt  }
0x6d: {  	_ =	shalt  }
0x6e: {  	_ =	shalt  }
0x6f: {  	_ =	shalt  }
0x70: {  	_ =	shalt  }
0x71: {  	_ =	shalt  }
0x72: {  	_ =	shalt  }
0x73: {  	_ =	shalt  }
0x74: {  	_ =	shalt  }
0x75: {  	_ =	shalt  }
0x76: {  	_ =	shalt  }
0x77: {  	_ =	shalt  }
0x78: {  	_ =	shalt  }
0x79: {  	_ =	shalt  }
0x7a: {  	_ =	shalt  }
0x7b: {  	_ =	shalt  }
0x7c: {  	_ =	shalt  }
0x7d: {  	_ =	shalt  }
0x7e: {  	_ =	shalt  }
0x7f: {  	_ =	shalt  }
0x80: {  	_ =	shalt  }
0x81: {  	_ =	shalt  }
0x82: {  	_ =	shalt  }
0x83: {  	_ =	shalt  }
0x84: {  	_ =	shalt  }
0x85: {  	_ =	shalt  }
0x86: {  	_ =	shalt  }
0x87: {  	_ =	shalt  }
.Lfunc_end0:
.L_simem_size_0:
called_computation_lowered:
.L_overlay_start_0:
0x88: {  	s2 =	sld [smem:$0x3FD9]  }
0x89: {  	s3 =	sld [smem:$0x3FFE];
	_ =	sdelay $0x1  }
0x8a: {  	s1 =	srdreg.scid  }
0x8b: {  	s0 =	sand.u32 $0x1, s1  }
0x8c: {  	s17 =	sshll.u32 s0, $0xA;
	s2 =	sadd.s32 s3, s2  }
0x8d: {  	s2 =	sadd.s32 s2, s17  }
0x8e: {  	[smem:$0x3FC1] =	sst s2  }
0x8f: {  	_ = 	snop  }
0x90: {  	s2 =	sld [smem:$0x3FD0];
	(tm) =	ssettm $0x1  }
0x91: {  	s18 =	sld [smem:$0x3FFB];
	_ =	sdelay $0x3  }
0x92: {  	_ =	strace s18  }
0x93: {  	s3 =	sld [smem:$0x3FFC];
	_ =	sdelay $0x3  }
0x94: {  	_ =	strace s3  }
0x95: {  	s3 =	sld [smem:$0x3FFD];
	_ =	sdelay $0x3  }
0x96: {  	_ =	strace s3  }
0x97: {  	_ =	strace $0x8FFFFFFF  }
0x98: {  	s19 =	sld [smem:$0x3FDB];
	_ =	sdelay $0x1  }
0x99: {  	s4 =	simm.s32 $_scs_section_size  }
0x9a: {  	s5 =	simm.s32 $_size__tile_overlayer_lowered;
	s6 =	simm.s32 $_tile_overlayer_lowered  }
0x9b: {  	s22 =	simm.s32 $0x1BFF;
	s21 =	sshll.u32 s6, $0x1;
	s3 =	sadd.s32 s4, s19  }
0x9c: {  	s7 =	simm.s32 $0x0;
	s20 =	sshll.u32 s5, $0x1;
	s5 =	sadd.s32 s21, s3  }
0x9d: {  	[timem:s7], [sflag:s22] =	dma.local [hbm:s5], s20  }
0x9e: {  	_ =	swait.ge [sflag:s22], s20  }
0x9f: {  	s4 =	ssub.s32 $0x0, s20;
	[sflag:s22] =	ssyncset.done $0x0  }
0xa0: {  	[sflag:s22] =	ssyncadd.s32 s4;
	_ =	sdelay $0x1  }
0xa1: {  	s23 =	simm.s32 $0x1B8B  }
0xa2: {  	_ =	swait.ge [sflag:s23], $0x1  }
0xa3: {  	[sflag:s23] =	ssyncset.done $0x0  }
0xa4: {  	s25 =	simm.s32 $0x1B8E;
	s24 =	sld [smem:$0x3FFE];
	[sflag:s23] =	ssyncadd.s32 $0xFFFFFFFF  }
0xa5: {  	s26 =	simm.s32 $execute0_lowered;
	[smem:$0x3FD2] =	sst s25  }
0xa6: {  	s5 =	sshll.u32 s26, $0x1;
	_ =	strace $0x80000046;
	[dreg:$0x1] =	wrdreg $0xFFFFFFFF  }
0xa7: {  	s28 =	simm.s32 $_size_execute0_lowered;
	s3 =	sadd.s32 s3, s5;
	[dreg:$0x0] =	wrdreg $0x0  }
0xa8: {  	s5 =	sshll.u32 s28, $0x1;
	[dreg:$0x2] =	wrdreg s3  }
0xa9: {  	[dreg:$0x3] =	wrdreg s5  }
0xaa: {  	[dreg:$0x4] =	wrdreg $0xC0  }
0xab: {  	_ =	task [dreg:s7], $0x5FFFF  }
0xac: {  	[dreg:$0x1] =	wrdreg $0xFFFFFFFF  }
0xad: {  	[dreg:$0x0] =	wrdreg $0x60  }
0xae: {  	[dreg:$0x2] =	wrdreg s24  }
0xaf: {  	[dreg:$0x3] =	wrdreg s2  }
0xb0: {  	[dreg:$0x4] =	wrdreg $0xAF000  }
0xb1: {  	[dreg:$0x5] =	wrdreg $0x9  }
0xb2: {  	_ =	task.clear_ibuf [dreg:s7], $0x6FFFF;
	_ =	strace $0x90000046  }
0xb3: {  	s29 =	simm.s32 $0x9;
	_ =	strace $0x80000048  }
0xb4: {  	_ =	swait.ge [sflag:s29], $0x1  }
0xb5: {  	[sflag:s29] =	ssyncadd.s32 $0xFFFFFFFF  }
0xb6: {  	_ =	strace $0x90000048  }
0xb7: {  	_ =	sfence  }
0xb8: {  	s30 =	sld [smem:$0x0];
	_ =	sdelay $0x2  }
0xb9: {  	s31 =	sshll.u32 s1, $0xD;
	s1 =	sshrl.u32 s1, $0x2  }
0xba: {  	s3 =	sand.u32 $0x4000, s31;
	s1 =	sadd.s32 s1, s30  }
0xbb: {  	s0 =	sor.u32 s3, s0;
	s1 =	sshll.u32 s1, $0x11  }
0xbc: {  	s0 =	sor.u32 s1, s0  }
0xbd: {  	s0 =	sadd.s32 $0x8F2B, s0  }
0xbe: {  	[sflag:s0] =	ssyncadd.remote.s32 $0x1  }
0xbf: {  	_ =	sfence.sel $0xFFFF  }
0xc0: {  	[dreg:$0x0] =	wrdreg $0xFFFFFFFF;
	(pc) =	sbr.abs _section_cstart, $3  }
0xc1: {  	[dreg:$0x1] =	wrdreg $0xFFFFFFFF  }
0xc2: {  	_ =	task.clear_ibuf [dreg:s7], $0x2FFFF;
	_ =	strace $0x9FFFFFFF  }
0xc3: {  	(tm) =	ssettm $0x7FFFFFFF  }
tec
execute0_lowered:
.L_overlay_start_1:
0x0: {  	(tag) =	ssettag $0x1  }
0x1: {  	s0 =	rddreg [dreg:$0x0]  }
0x2: {  	s1 =	rddreg [dreg:$0x1]  }
0x3: {  	s12 =	rddreg [dreg:$0x2];
	s13 =	simm.s32 $0x0;
	s2 =	srdreg.scid  }
0x4: {  	s14 =	stileid.u32;
	[smem:$0x7FF] =	sst s13;
	s2 =	sand.u32 $0x1, s2  }
0x5: {  	s3 =	sshll.u32 s14, $0x1;
	s6 =	smul.u32 $0x4E000, s14;
	s5 =	sadd.s32 $0x4E3C00, s0  }
0x6: {  	s7 =	smul.u32 $0x2700, s14;
	_ =	strace $0x80000047;
	s8 =	ssub.s32 $0x2, s2  }
0x7: {  	s3 =	sor.u32 s2, s3;
	s10 =	sshrl.u32 s8, $0x1;
	s6 =	sshrl.u32 s6, $0x2  }
0x8: {  	s29 =	smul.u32 $0x138800, s2;
	s8 =	ssub.s32 s8, s10;
	s10 =	sadd.s32 s6, s12  }
0x9: {  	s9 =	smul.u32 $0x500, s3;
	s12 =	sadd.s32 $0x138000, s12;
	[dreg:$0x5] =	wrdreg s10  }
0xa: {  	s11 =	smul.u32 $0x28000, s3;
	s15 =	sadd.s32 $0x13000, s10;
	[dreg:$0x7] =	wrdreg s12  }
0xb: {  	s2 =	smul.u32 $0x27100, s2;
	s1 =	sadd.s32 s1, s9;
	[dreg:$0x6] =	wrdreg s15  }
0xc: {  	s30 =	sadd.s32 s5, s11;
	[dreg:$0x8] =	wrdreg s1  }
0xd: {  	s2 =	sadd.s32 s7, s2;
	s7 =	smax.u32 s8, $0x1;
	[dreg:$0x9] =	wrdreg s30  }
0xe: {  	s8 =	sadd.s32 $0x1000, s10;
	[dreg:$0xc] =	wrdreg s7  }
0xf: {  	s9 =	sadd.s32 $0x2000, s10;
	[dreg:$0xd] =	wrdreg s8  }
0x10: {  	s16 =	sadd.s32 $0x4000, s10;
	[dreg:$0xe] =	wrdreg s9  }
0x11: {  	s17 =	sadd.s32 $0x5000, s10;
	[dreg:$0x10] =	wrdreg s16  }
0x12: {  	s18 =	sadd.s32 $0x6000, s10;
	[dreg:$0x11] =	wrdreg s17  }
0x13: {  	s19 =	sadd.s32 $0x7000, s10;
	[dreg:$0x12] =	wrdreg s18  }
0x14: {  	s20 =	sadd.s32 $0x8000, s10;
	[dreg:$0x13] =	wrdreg s19  }
0x15: {  	s21 =	sadd.s32 $0x9000, s10;
	[dreg:$0x14] =	wrdreg s20  }
0x16: {  	s22 =	sadd.s32 $0xA000, s10;
	[dreg:$0x15] =	wrdreg s21  }
0x17: {  	s23 =	sadd.s32 $0xB000, s10;
	[dreg:$0x16] =	wrdreg s22  }
0x18: {  	s24 =	sadd.s32 $0xC000, s10;
	[dreg:$0x17] =	wrdreg s23  }
0x19: {  	s25 =	sadd.s32 $0xD000, s10;
	[dreg:$0x18] =	wrdreg s24  }
0x1a: {  	s4 =	sadd.s32 $0x1C00, s0;
	s26 =	sadd.s32 $0xE000, s10;
	[dreg:$0x19] =	wrdreg s25  }
0x1b: {  	s0 =	sadd.s32 $0x51C00, s0;
	s28 =	sadd.s32 $0xF000, s10;
	[dreg:$0x1a] =	wrdreg s26  }
0x1c: {  	s31 =	sshrl.u32 s29, $0x3;
	s29 =	sadd.s32 $0x10000, s10;
	[dreg:$0x1b] =	wrdreg s28  }
0x1d: {  	s1 =	sadd.s32 s0, s31;
	s0 =	sadd.s32 s0, s2;
	[dreg:$0x1c] =	wrdreg s29  }
0x1e: {  	s15 =	sadd.s32 $0x3000, s10;
	[dreg:$0xa] =	wrdreg s0  }
0x1f: {  	s30 =	sadd.s32 $0x11000, s10;
	[dreg:$0xf] =	wrdreg s15  }
0x20: {  	s31 =	sadd.s32 $0x12000, s10;
	[dreg:$0x1d] =	wrdreg s30  }
0x21: {  	p0 =	sne.s32 s14, $0xF;
	s6 =	sadd.s32 $0x27000, s1;
	[dreg:$0x1e] =	wrdreg s31  }
0x22: {  	v0 =	vimm.f32 $0.0e+00;
	s11 =	smul.u32 $0x140000, s3;
	s3 =	simm.s32 $0x5;
	[dreg:$0xb] =	wrdreg s6  }
.LBB2_1:
0x23: {  	[dreg:$0x4] =	wrdreg s13;
	s0 =	simm.s32 $0x0;
	s1 =	simm.s32 $0x200  }
.LBB2_2:
0x24: {  	p1 =	sne.s32 s1, $0x3E00;
	[tilespmem:s0+$0x8F70] =	vst v0  }
0x25: {  	[tilespmem:s0+$0x8F00] =	vst v0  }
0x26: {  	[tilespmem:s0+$0x8F10] =	vst v0  }
.Ltmp0:
0x27: {  	[tilespmem:s0+$0x8F20] =	vst v0;
	(pc) =	sbr.rel @p1 .LBB2_2-.Ltmp0, $4  }
0x28: {  	[tilespmem:s0+$0x8F30] =	vst v0  }
0x29: {  	[tilespmem:s0+$0x8F40] =	vst v0  }
0x2a: {  	[tilespmem:s0+$0x8F50] =	vst v0  }
0x2b: {  	[tilespmem:s0+$0x8F60] =	vst v0;
	s0 =	sshra.s32 s1, $0x2;
	s1 =	sadd.s32 $0x200, s1  }
0x2c: {  	[tilespmem:s0+$0x8F70] =	vst v0  }
0x2d: {  	[tilespmem:s0+$0x8F00] =	vst v0  }
0x2e: {  	[tilespmem:s0+$0x8F10] =	vst v0  }
0x2f: {  	[tilespmem:s0+$0x8F20] =	vst v0  }
0x30: {  	[tilespmem:s0+$0x8F30] =	vst v0  }
0x31: {  	[tilespmem:s0+$0x8F40] =	vst v0  }
0x32: {  	[tilespmem:s0+$0x8F50] =	vst v0  }
0x33: {  	[tilespmem:s0+$0x8F60] =	vst v0;
	s1 =	simm.s32 $0x8F00  }
0x34: {  	[spmem:s10] =	stream.linear.scatter [tilespmem:s1], [sflag:$0x5], $0x1000, $0x38;
	[tilespmem:$0x1E800] =	vst v63  }
0x35: {  	_ =	swait.ge [sflag:s3], $0x1000  }
0x36: {  	[sflag:s3] =	ssyncset.done $0x0  }
0x37: {  	s2 =	rddreg [dreg:$0xd];
	[sflag:s3] =	ssyncadd.s32 $0xFFFFF000  }
0x38: {  	[spmem:s2] =	stream.linear.scatter [tilespmem:s1], [sflag:$0x5], $0x1000, $0x38;
	[tilespmem:$0x1E800] =	vst v63  }
0x39: {  	_ =	swait.ge [sflag:s3], $0x1000  }
0x3a: {  	[sflag:s3] =	ssyncset.done $0x0  }
0x3b: {  	s6 =	rddreg [dreg:$0xe];
	[sflag:s3] =	ssyncadd.s32 $0xFFFFF000  }
0x3c: {  	[spmem:s6] =	stream.linear.scatter [tilespmem:s1], [sflag:$0x5], $0x1000, $0x38;
	[tilespmem:$0x1E800] =	vst v63  }
0x3d: {  	_ =	swait.ge [sflag:s3], $0x1000  }
0x3e: {  	[sflag:s3] =	ssyncset.done $0x0  }
0x3f: {  	s7 =	rddreg [dreg:$0xf];
	[sflag:s3] =	ssyncadd.s32 $0xFFFFF000  }
0x40: {  	[spmem:s7] =	stream.linear.scatter [tilespmem:s1], [sflag:$0x5], $0x1000, $0x38;
	[tilespmem:$0x1E800] =	vst v63  }
0x41: {  	_ =	swait.ge [sflag:s3], $0x1000  }
0x42: {  	[sflag:s3] =	ssyncset.done $0x0  }
0x43: {  	s8 =	rddreg [dreg:$0x10];
	[sflag:s3] =	ssyncadd.s32 $0xFFFFF000  }
0x44: {  	[spmem:s8] =	stream.linear.scatter [tilespmem:s1], [sflag:$0x5], $0x1000, $0x38;
	[tilespmem:$0x1E800] =	vst v63  }
0x45: {  	_ =	swait.ge [sflag:s3], $0x1000  }
0x46: {  	[sflag:s3] =	ssyncset.done $0x0  }
0x47: {  	s9 =	rddreg [dreg:$0x11];
	[sflag:s3] =	ssyncadd.s32 $0xFFFFF000  }
0x48: {  	[spmem:s9] =	stream.linear.scatter [tilespmem:s1], [sflag:$0x5], $0x1000, $0x38;
	[tilespmem:$0x1E800] =	vst v63  }
0x49: {  	_ =	swait.ge [sflag:s3], $0x1000  }
0x4a: {  	[sflag:s3] =	ssyncset.done $0x0  }
0x4b: {  	s10 =	rddreg [dreg:$0x12];
	[sflag:s3] =	ssyncadd.s32 $0xFFFFF000  }
0x4c: {  	[spmem:s10] =	stream.linear.scatter [tilespmem:s1], [sflag:$0x5], $0x1000, $0x38;
	[tilespmem:$0x1E800] =	vst v63  }
0x4d: {  	_ =	swait.ge [sflag:s3], $0x1000  }
0x4e: {  	[sflag:s3] =	ssyncset.done $0x0  }
0x4f: {  	s13 =	rddreg [dreg:$0x13];
	[sflag:s3] =	ssyncadd.s32 $0xFFFFF000  }
0x50: {  	[spmem:s13] =	stream.linear.scatter [tilespmem:s1], [sflag:$0x5], $0x1000, $0x38;
	[tilespmem:$0x1E800] =	vst v63  }
0x51: {  	_ =	swait.ge [sflag:s3], $0x1000  }
0x52: {  	[sflag:s3] =	ssyncset.done $0x0  }
0x53: {  	s14 =	rddreg [dreg:$0x14];
	[sflag:s3] =	ssyncadd.s32 $0xFFFFF000  }
0x54: {  	[spmem:s14] =	stream.linear.scatter [tilespmem:s1], [sflag:$0x5], $0x1000, $0x38;
	[tilespmem:$0x1E800] =	vst v63  }
0x55: {  	_ =	swait.ge [sflag:s3], $0x1000  }
0x56: {  	[sflag:s3] =	ssyncset.done $0x0  }
0x57: {  	s15 =	rddreg [dreg:$0x15];
	[sflag:s3] =	ssyncadd.s32 $0xFFFFF000  }
0x58: {  	[spmem:s15] =	stream.linear.scatter [tilespmem:s1], [sflag:$0x5], $0x1000, $0x38;
	[tilespmem:$0x1E800] =	vst v63  }
0x59: {  	_ =	swait.ge [sflag:s3], $0x1000  }
0x5a: {  	[sflag:s3] =	ssyncset.done $0x0  }
0x5b: {  	s16 =	rddreg [dreg:$0x16];
	[sflag:s3] =	ssyncadd.s32 $0xFFFFF000  }
0x5c: {  	[spmem:s16] =	stream.linear.scatter [tilespmem:s1], [sflag:$0x5], $0x1000, $0x38;
	[tilespmem:$0x1E800] =	vst v63  }
0x5d: {  	_ =	swait.ge [sflag:s3], $0x1000  }
0x5e: {  	[sflag:s3] =	ssyncset.done $0x0  }
0x5f: {  	s17 =	rddreg [dreg:$0x17];
	[sflag:s3] =	ssyncadd.s32 $0xFFFFF000  }
0x60: {  	[spmem:s17] =	stream.linear.scatter [tilespmem:s1], [sflag:$0x5], $0x1000, $0x38;
	[tilespmem:$0x1E800] =	vst v63  }
0x61: {  	_ =	swait.ge [sflag:s3], $0x1000  }
0x62: {  	[sflag:s3] =	ssyncset.done $0x0  }
0x63: {  	s18 =	rddreg [dreg:$0x18];
	[sflag:s3] =	ssyncadd.s32 $0xFFFFF000  }
0x64: {  	[spmem:s18] =	stream.linear.scatter [tilespmem:s1], [sflag:$0x5], $0x1000, $0x38;
	[tilespmem:$0x1E800] =	vst v63  }
0x65: {  	_ =	swait.ge [sflag:s3], $0x1000  }
0x66: {  	[sflag:s3] =	ssyncset.done $0x0  }
0x67: {  	s19 =	rddreg [dreg:$0x19];
	[sflag:s3] =	ssyncadd.s32 $0xFFFFF000  }
0x68: {  	[spmem:s19] =	stream.linear.scatter [tilespmem:s1], [sflag:$0x5], $0x1000, $0x38;
	[tilespmem:$0x1E800] =	vst v63  }
0x69: {  	_ =	swait.ge [sflag:s3], $0x1000  }
0x6a: {  	[sflag:s3] =	ssyncset.done $0x0  }
0x6b: {  	s20 =	rddreg [dreg:$0x1a];
	[sflag:s3] =	ssyncadd.s32 $0xFFFFF000  }
0x6c: {  	[spmem:s20] =	stream.linear.scatter [tilespmem:s1], [sflag:$0x5], $0x1000, $0x38;
	[tilespmem:$0x1E800] =	vst v63  }
0x6d: {  	_ =	swait.ge [sflag:s3], $0x1000  }
0x6e: {  	[sflag:s3] =	ssyncset.done $0x0  }
0x6f: {  	s21 =	rddreg [dreg:$0x1b];
	[sflag:s3] =	ssyncadd.s32 $0xFFFFF000  }
0x70: {  	[spmem:s21] =	stream.linear.scatter [tilespmem:s1], [sflag:$0x5], $0x1000, $0x38;
	[tilespmem:$0x1E800] =	vst v63  }
0x71: {  	_ =	swait.ge [sflag:s3], $0x1000  }
0x72: {  	[sflag:s3] =	ssyncset.done $0x0  }
0x73: {  	s22 =	rddreg [dreg:$0x1c];
	[sflag:s3] =	ssyncadd.s32 $0xFFFFF000  }
0x74: {  	[spmem:s22] =	stream.linear.scatter [tilespmem:s1], [sflag:$0x5], $0x1000, $0x38;
	[tilespmem:$0x1E800] =	vst v63  }
0x75: {  	_ =	swait.ge [sflag:s3], $0x1000  }
0x76: {  	[sflag:s3] =	ssyncset.done $0x0  }
0x77: {  	s23 =	rddreg [dreg:$0x1d];
	[sflag:s3] =	ssyncadd.s32 $0xFFFFF000  }
0x78: {  	[spmem:s23] =	stream.linear.scatter [tilespmem:s1], [sflag:$0x5], $0x1000, $0x38;
	[tilespmem:$0x1E800] =	vst v63  }
0x79: {  	_ =	swait.ge [sflag:s3], $0x1000  }
0x7a: {  	[sflag:s3] =	ssyncset.done $0x0  }
0x7b: {  	s24 =	rddreg [dreg:$0x1e];
	[sflag:s3] =	ssyncadd.s32 $0xFFFFF000  }
0x7c: {  	[spmem:s24] =	stream.linear.scatter [tilespmem:s1], [sflag:$0x5], $0x1000, $0x38;
	[tilespmem:$0x1E800] =	vst v63  }
0x7d: {  	_ =	swait.ge [sflag:s3], $0x1000  }
0x7e: {  	[sflag:s3] =	ssyncset.done $0x0  }
0x7f: {  	s25 =	rddreg [dreg:$0x6];
	[sflag:s3] =	ssyncadd.s32 $0xFFFFF000  }
0x80: {  	[spmem:s25] =	stream.linear.scatter [tilespmem:s1], [sflag:$0x5], $0x800, $0x38;
	[tilespmem:$0x1E800] =	vst v63  }
0x81: {  	_ =	swait.ge [sflag:s3], $0x800  }
0x82: {  	[sflag:s3] =	ssyncset.done $0x0  }
0x83: {  	s0 =	simm.s32 @!p0 $0x8F00;
	[sflag:s3] =	ssyncadd.s32 $0xFFFFF800  }
0x84: {  	[spmem:s12] =	stream.linear.scatter @!p0 [tilespmem:s0], [sflag:$0x5], $0x1000, $0x38;
	[tilespmem:$0x1E800] =	vst v63  }
0x85: {  	s0 =	simm.s32 @!p0 $0x5  }
0x86: {  	_ =	swait.ge @!p0 [sflag:s0], $0x1000  }
0x87: {  	[sflag:s0] =	ssyncset.done @!p0 $0x0  }
0x88: {  	s13 =	simm.s32 $0x0;
	s26 =	rddreg [dreg:$0x8];
	[sflag:s0] =	ssyncadd.s32 @!p0 $0xFFFFF000  }
0x89: {  	[tilespmem:s13], [sflag:$0x5] =	stream.linear.gather [hbm4b:s26+s13], $0x2800, $0x38;
	[tilespmem:$0x1E800] =	vst v63  }
0x8a: {  	_ =	swait.ge [sflag:s3], $0x2800  }
0x8b: {  	[sflag:s3] =	ssyncset.done $0x0  }
0x8c: {  	[sflag:s3] =	ssyncadd.s32 $0xFFFFD800  }
0x8d: {  	[bflag:$0x0] =	sbarrier.arrive $0xFFFF  }
0x8e: {  	v1 =	vld [tilespmem:$0x0];
	_ =	sdelay $0x2  }
0x8f: {  	v2 =	vld [tilespmem:$0x10];
	_ =	sdelay $0x1  }
0x90: {  	v3 =	vand.u32 $0xFFFF, v1;
	v1 =	vshra.s32 v1, $0x10  }
0x91: {  	[tilespmem:$0x2C00] =	vst v1  }
0x92: {  	v1 =	vadd.s32 $0x2800, v3;
	[tilespmem:$0x2D00] =	vst v3  }
0x93: {  	[tilespmem:$0x2C20] =	vst v1;
	v1 =	vand.u32 $0xFFFF, v2;
	v2 =	vshra.s32 v2, $0x10  }
0x94: {  	[tilespmem:$0x2C10] =	vst v2  }
0x95: {  	v2 =	vadd.s32 $0x2800, v1;
	[tilespmem:$0x2D10] =	vst v1  }
0x96: {  	s28 =	simm.s32 $0x40;
	s29 =	simm.s32 $0x2C00;
	s2 =	simm.s32 $0x2F00;
	[tilespmem:$0x2C30] =	vst v2  }
0x97: {  	[tilespmem:s2], [sflag:$0x1] =	stream.indirect.gather [hbm4b:s4+s28], $0x80, s29, s28, $0xb8;
	[tilespmem:$0x1E800] =	vst v63  }
0x98: {  	s31 =	simm.s32 $0x6F00;
	s30 =	rddreg [dreg:$0x9]  }
0x99: {  	[tilespmem:s31], [sflag:$0x1] =	stream.linear.gather [hbm4b:s30+s13], $0x1000, $0x38;
	[tilespmem:$0x1E800] =	vst v63  }
.LBB2_4:
0x9a: {  	s0 =	smov.u32 s13;
	s13 =	sadd.s32 $0x1, s13  }
0x9b: {  	s1 =	sshll.u32 s13, $0x5  }
0x9c: {  	s1 =	sand.u32 $0x7FE0, s1  }
0x9d: {  	v1 =	vld [tilespmem:s1+$0x0];
	_ =	sdelay $0x3  }
0x9e: {  	s2 =	sshll.u32 s13, $0x7  }
0x9f: {  	s3 =	sand.u32 $0x80, s2;
	v2 =	vand.u32 $0xFFFF, v1;
	v1 =	vshra.s32 v1, $0x10  }
0xa0: {  	[tilespmem:s3+$0x2C00] =	vst v1;
	v1 =	vadd.s32 $0x2800, v2  }
0xa1: {  	s2 =	sand.u32 $0x180, s2;
	[tilespmem:s3+$0x2C20] =	vst v1  }
0xa2: {  	[tilespmem:s2+$0x2D00] =	vst v2  }
0xa3: {  	v1 =	vld [tilespmem:s1+$0x10];
	_ =	sdelay $0x4  }
0xa4: {  	v2 =	vand.u32 $0xFFFF, v1;
	v1 =	vshra.s32 v1, $0x10  }
0xa5: {  	s29 =	sand.u32 $0x1, s0;
	[tilespmem:s3+$0x2C10] =	vst v1;
	v1 =	vadd.s32 $0x2800, v2  }
0xa6: {  	p1 =	seq.s32 s29, $0x1;
	[tilespmem:s3+$0x2C30] =	vst v1  }
0xa7: {  	s6 =	simm.s32 @!p1 $0x4F00;
	s3 =	simm.s32 @!p1 $0x2C80;
	[tilespmem:s2+$0x2D10] =	vst v2;
	s2 =	simm.s32 @!p1 $0x40  }
0xa8: {  	[tilespmem:s6], [sflag:$0x2] =	stream.indirect.gather @!p1 [hbm4b:s4+s2], $0x80, s3, s2, $0xb8;
	[tilespmem:$0x1E800] =	vst v63  }
0xa9: {  	s2 =	sshll.u32 @!p1 s13, $0xC  }
0xaa: {  	p2 =	seq.s32 s0, $0x13F;
	s2 =	sadd.s32 @!p1 s11, s2  }
0xab: {  	p2 =	por !p1, p2;
	s2 =	sshrl.u32 @!p1 s2, $0x3  }
0xac: {  	s3 =	simm.s32 @!p1 $0x0;
	s6 =	simm.s32 @!p1 $0x7F00;
	s2 =	sadd.s32 @!p1 s5, s2  }
0xad: {  	[tilespmem:s6], [sflag:$0x2] =	stream.linear.gather @!p1 [hbm4b:s2+s3], $0x1000, $0x38;
	[tilespmem:$0x1E800] =	vst v63  }
0xae: {  	s2 =	simm.s32 @!p2 $0x40;
	s3 =	simm.s32 @!p2 $0x2C00;
	s6 =	simm.s32 @!p2 $0x2F00  }
0xaf: {  	[tilespmem:s6], [sflag:$0x1] =	stream.indirect.gather @!p2 [hbm4b:s4+s2], $0x80, s3, s2, $0xb8;
	[tilespmem:$0x1E800] =	vst v63  }
0xb0: {  	s2 =	sshll.u32 @!p2 s13, $0xC  }
0xb1: {  	s2 =	sadd.s32 @!p2 s11, s2  }
0xb2: {  	s2 =	sshrl.u32 @!p2 s2, $0x3  }
0xb3: {  	s3 =	simm.s32 @!p2 $0x0;
	s6 =	simm.s32 @!p2 $0x6F00;
	s2 =	sadd.s32 @!p2 s5, s2  }
0xb4: {  	[tilespmem:s6], [sflag:$0x1] =	stream.linear.gather @!p2 [hbm4b:s2+s3], $0x1000, $0x38;
	[tilespmem:$0x1E800] =	vst v63  }
0xb5: {  	p2 =	sne.s32 s29, $0x0  }
0xb6: {  	s2 =	simm.s32 @!p2 $0x1  }
0xb7: {  	_ =	swait.ge @!p2 [sflag:s2], $0x2000  }
0xb8: {  	[sflag:s2] =	ssyncset.done @!p2 $0x0  }
0xb9: {  	[sflag:s2] =	ssyncadd.s32 @!p2 $0xFFFFE000  }
0xba: {  	p3 =	slt.u32 @!p2 s0, $0x2;
	_ =	swait.ge @!p2 [sflag:s2], $0x1000  }
0xbb: {  	p3 =	por p3, p2;
	[sflag:s2] =	ssyncset.done @!p2 $0x0  }
0xbc: {  	[sflag:s2] =	ssyncadd.s32 @!p2 $0xFFFFF000;
	s2 =	simm.s32 @!p3 $0x3  }
0xbd: {  	_ =	swait.ge @!p3 [sflag:s2], $0x1000  }
0xbe: {  	[sflag:s2] =	ssyncset.done @!p3 $0x0  }
0xbf: {  	[sflag:s2] =	ssyncadd.s32 @!p3 $0xFFFFF000;
	s2 =	simm.s32 @p1 $0x2  }
0xc0: {  	_ =	swait.ge @p1 [sflag:s2], $0x2000  }
0xc1: {  	[sflag:s2] =	ssyncset.done @p1 $0x0  }
0xc2: {  	s30 =	sshll.u32 s29, $0xD;
	[sflag:s2] =	ssyncadd.s32 @p1 $0xFFFFE000  }
0xc3: {  	s31 =	sadd.s32 $0x2F00, s30;
	p3 =	slt.u32 @p1 s0, $0x2;
	_ =	swait.ge @p1 [sflag:s2], $0x1000  }
0xc4: {  	v1 =	vmov s31;
	p3 =	por p3, !p1;
	[sflag:s2] =	ssyncset.done @p1 $0x0  }
0xc5: {  	[sflag:s2] =	ssyncadd.s32 @p1 $0xFFFFF000;
	s2 =	simm.s32 @!p3 $0x4  }
0xc6: {  	_ =	swait.ge @!p3 [sflag:s2], $0x1000  }
0xc7: {  	s17 =	simm.s32 $0x0;
	s14 =	sand.u32 $0x3, s0;
	[sflag:s2] =	ssyncset.done @!p3 $0x0  }
0xc8: {  	s15 =	sshll.u32 s29, $0xC;
	[sflag:s2] =	ssyncadd.s32 @!p3 $0xFFFFF000;
	p3 =	por $0x1, $0x1  }
.LBB2_5:
0xc9: {  	v2 =	vld.idx.msk [tilespmem:v1+s17+$0x0 ss:$0x1], $0xffff  }
0xca: {  	v3 =	vld.idx.msk [tilespmem:v1+s17+$0x1000 ss:$0x1], $0xffff  }
0xcb: {  	s16 =	sor.u32 s15, s17  }
0xcc: {  	v4 =	vld [tilespmem:s16+$0x6F00];
	_ =	sdelay $0x2  }
0xcd: {  	v2 =	vadd.f32 v3, v2;
	_ =	sdelay $0x1  }
0xce: {  	v2 =	vadd.f32 v4, v2;
	_ =	sdelay $0x1  }
0xcf: {  	v2 =	vmax.f32 v2, $0.0e+00  }
0xd0: {  	[tilespmem:s16+$0x8F00] =	vst v2  }
0xd1: {  	v2 =	vld.idx.msk [tilespmem:v1+s17+$0x10 ss:$0x1], $0xffff  }
0xd2: {  	v3 =	vld.idx.msk [tilespmem:v1+s17+$0x1010 ss:$0x1], $0xffff;
	_ =	sdelay $0x1  }
0xd3: {  	v41 =	vld [tilespmem:s16+$0x6F10];
	_ =	sdelay $0x2  }
0xd4: {  	v2 =	vadd.f32 v3, v2;
	_ =	sdelay $0x1  }
0xd5: {  	v2 =	vadd.f32 v41, v2;
	_ =	sdelay $0x1  }
0xd6: {  	v2 =	vmax.f32 v2, $0.0e+00  }
0xd7: {  	[tilespmem:s16+$0x8F10] =	vst v2  }
0xd8: {  	v2 =	vld.idx.msk [tilespmem:v1+s17+$0x20 ss:$0x1], $0xffff  }
0xd9: {  	v3 =	vld.idx.msk [tilespmem:v1+s17+$0x1020 ss:$0x1], $0xffff;
	_ =	sdelay $0x1  }
0xda: {  	v42 =	vld [tilespmem:s16+$0x6F20];
	_ =	sdelay $0x2  }
0xdb: {  	v2 =	vadd.f32 v3, v2;
	_ =	sdelay $0x1  }
0xdc: {  	v2 =	vadd.f32 v42, v2;
	_ =	sdelay $0x1  }
0xdd: {  	v2 =	vmax.f32 v2, $0.0e+00  }
0xde: {  	[tilespmem:s16+$0x8F20] =	vst v2  }
0xdf: {  	s1 =	sor.u32 $0x80, s17;
	v2 =	vld.idx.msk [tilespmem:v1+s17+$0x30 ss:$0x1], $0xffff  }
0xe0: {  	v3 =	vld.idx.msk [tilespmem:v1+s1+$0x0 ss:$0x1], $0xffff  }
0xe1: {  	v43 =	vld.idx.msk [tilespmem:v1+s17+$0x1080 ss:$0x1], $0xffff  }
0xe2: {  	s18 =	sor.u32 s15, s1  }
0xe3: {  	v5 =	vld [tilespmem:s18+$0x6F00];
	_ =	sdelay $0x2  }
0xe4: {  	v3 =	vadd.f32 v43, v3  }
0xe5: {  	s2 =	sor.u32 $0x100, s17;
	v45 =	vld [tilespmem:s18+$0x6F10]  }
0xe6: {  	v6 =	vld.idx.msk [tilespmem:v1+s2+$0x0 ss:$0x1], $0xffff;
	v3 =	vadd.f32 v5, v3  }
0xe7: {  	s19 =	sor.u32 s15, s2;
	v7 =	vld.idx.msk [tilespmem:v1+s17+$0x1100 ss:$0x1], $0xffff  }
0xe8: {  	v46 =	vld [tilespmem:s19+$0x6F00];
	v3 =	vmax.f32 v3, $0.0e+00  }
0xe9: {  	v50 =	vld [tilespmem:s18+$0x6F20];
	[tilespmem:s18+$0x8F00] =	vst v3  }
0xea: {  	v3 =	vld.idx.msk [tilespmem:v1+s1+$0x10 ss:$0x1], $0xffff  }
0xeb: {  	v44 =	vld.idx.msk [tilespmem:v1+s17+$0x1090 ss:$0x1], $0xffff  }
0xec: {  	v52 =	vld [tilespmem:s19+$0x6F10]  }
0xed: {  	v54 =	vld [tilespmem:s18+$0x6F30]  }
0xee: {  	v56 =	vld [tilespmem:s19+$0x6F20]  }
0xef: {  	v57 =	vld.idx.msk [tilespmem:v1+s17+$0x1030 ss:$0x1], $0xffff  }
0xf0: {  	v58 =	vld [tilespmem:s16+$0x6F30];
	v3 =	vadd.f32 v44, v3  }
0xf1: {  	v60 =	vld [tilespmem:s18+$0x6F40]  }
0xf2: {  	s0 =	sor.u32 $0x180, s17;
	v8 =	vld [tilespmem:s19+$0x6F30];
	v3 =	vadd.f32 v45, v3  }
0xf3: {  	s20 =	sor.u32 s15, s0;
	v62 =	vld.idx.msk [tilespmem:v1+s0+$0x0 ss:$0x1], $0xffff  }
0xf4: {  	v63 =	vld [tilespmem:s20+$0x6F00];
	v47 =	vadd.f32 v7, v6;
	v3 =	vmax.f32 v3, $0.0e+00  }
0xf5: {  	v10 =	vld [tilespmem:s16+$0x6F40];
	[tilespmem:s18+$0x8F10] =	vst v3  }
0xf6: {  	v3 =	vadd.f32 v46, v47;
	v48 =	vld.idx.msk [tilespmem:v1+s1+$0x20 ss:$0x1], $0xffff  }
0xf7: {  	v49 =	vld.idx.msk [tilespmem:v1+s17+$0x10A0 ss:$0x1], $0xffff  }
0xf8: {  	v14 =	vld [tilespmem:s18+$0x6F50];
	v3 =	vmax.f32 v3, $0.0e+00  }
0xf9: {  	v16 =	vld [tilespmem:s19+$0x6F40];
	[tilespmem:s19+$0x8F00] =	vst v3  }
0xfa: {  	v3 =	vld.idx.msk [tilespmem:v1+s2+$0x10 ss:$0x1], $0xffff  }
0xfb: {  	v51 =	vld.idx.msk [tilespmem:v1+s17+$0x1110 ss:$0x1], $0xffff  }
0xfc: {  	s3 =	sor.u32 $0x200, s17;
	v11 =	vld [tilespmem:s20+$0x6F10];
	v4 =	vadd.f32 v49, v48  }
0xfd: {  	v18 =	vld.idx.msk [tilespmem:v1+s3+$0x0 ss:$0x1], $0xffff  }
0xfe: {  	s21 =	sor.u32 s15, s3;
	v19 =	vld.idx.msk [tilespmem:v1+s17+$0x1200 ss:$0x1], $0xffff;
	v4 =	vadd.f32 v50, v4  }
0xff: {  	v20 =	vld [tilespmem:s21+$0x6F00]  }
0x100: {  	v22 =	vld [tilespmem:s16+$0x6F50];
	v3 =	vadd.f32 v51, v3;
	v4 =	vmax.f32 v4, $0.0e+00  }
0x101: {  	v27 =	vld [tilespmem:s20+$0x6F20];
	[tilespmem:s18+$0x8F20] =	vst v4  }
0x102: {  	v3 =	vadd.f32 v52, v3;
	v4 =	vld.idx.msk [tilespmem:v1+s1+$0x30 ss:$0x1], $0xffff  }
0x103: {  	v53 =	vld.idx.msk [tilespmem:v1+s17+$0x10B0 ss:$0x1], $0xffff  }
0x104: {  	v28 =	vld [tilespmem:s21+$0x6F10];
	v3 =	vmax.f32 v3, $0.0e+00  }
0x105: {  	v29 =	vld.idx.msk [tilespmem:v1+s17+$0x1280 ss:$0x1], $0xffff;
	[tilespmem:s19+$0x8F10] =	vst v3  }
0x106: {  	s8 =	sor.u32 $0x280, s17;
	v3 =	vld.idx.msk [tilespmem:v1+s2+$0x20 ss:$0x1], $0xffff  }
0x107: {  	s22 =	sor.u32 s15, s8;
	v2 =	vadd.f32 v57, v2;
	v55 =	vld.idx.msk [tilespmem:v1+s17+$0x1120 ss:$0x1], $0xffff  }
0x108: {  	v30 =	vld [tilespmem:s22+$0x6F00];
	v4 =	vadd.f32 v53, v4  }
0x109: {  	v33 =	vld [tilespmem:s20+$0x6F30];
	v2 =	vadd.f32 v58, v2  }
0x10a: {  	v36 =	vld [tilespmem:s21+$0x6F20];
	v4 =	vadd.f32 v54, v4  }
0x10b: {  	v39 =	vld [tilespmem:s22+$0x6F10];
	v2 =	vmax.f32 v2, $0.0e+00  }
0x10c: {  	v40 =	vld [tilespmem:s19+$0x6F60];
	[tilespmem:s16+$0x8F30] =	vst v2;
	v3 =	vadd.f32 v55, v3;
	v4 =	vmax.f32 v4, $0.0e+00  }
0x10d: {  	v2 =	vld.idx.msk [tilespmem:v1+s17+$0x1180 ss:$0x1], $0xffff;
	[tilespmem:s18+$0x8F30] =	vst v4  }
0x10e: {  	v3 =	vadd.f32 v56, v3;
	v4 =	vld.idx.msk [tilespmem:v1+s1+$0x40 ss:$0x1], $0xffff  }
0x10f: {  	v59 =	vld.idx.msk [tilespmem:v1+s17+$0x10C0 ss:$0x1], $0xffff  }
0x110: {  	v9 =	vld.idx.msk [tilespmem:v1+s17+$0x40 ss:$0x1], $0xffff;
	v3 =	vmax.f32 v3, $0.0e+00  }
0x111: {  	v12 =	vld.idx.msk [tilespmem:v1+s17+$0x1040 ss:$0x1], $0xffff;
	[tilespmem:s19+$0x8F20] =	vst v3  }
0x112: {  	v2 =	vadd.f32 v2, v62;
	v3 =	vld.idx.msk [tilespmem:v1+s2+$0x30 ss:$0x1], $0xffff  }
0x113: {  	v61 =	vld.idx.msk [tilespmem:v1+s17+$0x1130 ss:$0x1], $0xffff  }
0x114: {  	v43 =	vld [tilespmem:s20+$0x6F40];
	v2 =	vadd.f32 v63, v2;
	v4 =	vadd.f32 v59, v4  }
0x115: {  	v57 =	vld [tilespmem:s20+$0x6F50]  }
0x116: {  	v58 =	vld [tilespmem:s21+$0x6F40];
	v7 =	vadd.f32 v12, v9;
	v2 =	vmax.f32 v2, $0.0e+00;
	v4 =	vadd.f32 v60, v4  }
0x117: {  	v62 =	vld.idx.msk [tilespmem:v1+s17+$0x1300 ss:$0x1], $0xffff;
	[tilespmem:s20+$0x8F00] =	vst v2  }
0x118: {  	v7 =	vadd.f32 v10, v7;
	v2 =	vld.idx.msk [tilespmem:v1+s0+$0x10 ss:$0x1], $0xffff;
	v3 =	vadd.f32 v61, v3;
	v4 =	vmax.f32 v4, $0.0e+00  }
0x119: {  	v17 =	vld.idx.msk [tilespmem:v1+s17+$0x1190 ss:$0x1], $0xffff;
	[tilespmem:s18+$0x8F40] =	vst v4  }
0x11a: {  	v7 =	vmax.f32 v7, $0.0e+00;
	v3 =	vadd.f32 v8, v3;
	v4 =	vld.idx.msk [tilespmem:v1+s1+$0x50 ss:$0x1], $0xffff  }
0x11b: {  	[tilespmem:s16+$0x8F40] =	vst v7;
	v13 =	vld.idx.msk [tilespmem:v1+s17+$0x10D0 ss:$0x1], $0xffff  }
0x11c: {  	v7 =	vld.idx.msk [tilespmem:v1+s17+$0x50 ss:$0x1], $0xffff;
	v3 =	vmax.f32 v3, $0.0e+00  }
0x11d: {  	v21 =	vld.idx.msk [tilespmem:v1+s17+$0x1050 ss:$0x1], $0xffff;
	[tilespmem:s19+$0x8F30] =	vst v3  }
0x11e: {  	s12 =	sor.u32 $0x300, s17;
	v3 =	vld.idx.msk [tilespmem:v1+s2+$0x40 ss:$0x1], $0xffff  }
0x11f: {  	s23 =	sor.u32 s15, s12;
	v2 =	vadd.f32 v17, v2;
	v15 =	vld.idx.msk [tilespmem:v1+s17+$0x1140 ss:$0x1], $0xffff  }
0x120: {  	v63 =	vld [tilespmem:s23+$0x6F00];
	v4 =	vadd.f32 v13, v4  }
0x121: {  	v17 =	vld [tilespmem:s21+$0x6F50];
	v2 =	vadd.f32 v11, v2  }
0x122: {  	v4 =	vadd.f32 v14, v4;
	v14 =	vld.idx.msk [tilespmem:v1+s8+$0x0 ss:$0x1], $0xffff  }
0x123: {  	v48 =	vld [tilespmem:s21+$0x6F30];
	v2 =	vmax.f32 v2, $0.0e+00  }
0x124: {  	v7 =	vadd.f32 v21, v7;
	v21 =	vld.idx.msk [tilespmem:v1+s17+$0x1380 ss:$0x1], $0xffff;
	[tilespmem:s20+$0x8F10] =	vst v2;
	v3 =	vadd.f32 v15, v3  }
0x125: {  	v26 =	vld.idx.msk [tilespmem:v1+s17+$0x11A0 ss:$0x1], $0xffff  }
0x126: {  	v53 =	vld [tilespmem:s22+$0x6F20];
	v3 =	vadd.f32 v16, v3  }
0x127: {  	v60 =	vld [tilespmem:s22+$0x6F30];
	v32 =	vadd.f32 v29, v14  }
0x128: {  	v61 =	vld.idx.msk [tilespmem:v1+s12+$0x0 ss:$0x1], $0xffff;
	v3 =	vmax.f32 v3, $0.0e+00  }
0x129: {  	v13 =	vld [tilespmem:s19+$0x6F50];
	v4 =	vmax.f32 v4, $0.0e+00;
	[tilespmem:s19+$0x8F40] =	vst v3;
	v3 =	vadd.f32 v19, v18;
	v6 =	vadd.f32 v30, v32  }
0x12a: {  	[tilespmem:s18+$0x8F50] =	vst v4;
	v16 =	vld [tilespmem:s18+$0x6F60]  }
0x12b: {  	v23 =	vld.idx.msk [tilespmem:v1+s1+$0x60 ss:$0x1], $0xffff;
	v2 =	vadd.f32 v20, v3;
	v6 =	vmax.f32 v6, $0.0e+00  }
0x12c: {  	v3 =	vld.idx.msk [tilespmem:v1+s0+$0x20 ss:$0x1], $0xffff;
	[tilespmem:s22+$0x8F00] =	vst v6  }
0x12d: {  	v2 =	vmax.f32 v2, $0.0e+00;
	v6 =	vld.idx.msk [tilespmem:v1+s8+$0x10 ss:$0x1], $0xffff  }
0x12e: {  	[tilespmem:s21+$0x8F00] =	vst v2;
	v37 =	vld.idx.msk [tilespmem:v1+s17+$0x1290 ss:$0x1], $0xffff  }
0x12f: {  	v2 =	vld.idx.msk [tilespmem:v1+s3+$0x10 ss:$0x1], $0xffff  }
0x130: {  	v12 =	vld.idx.msk [tilespmem:v1+s17+$0x1210 ss:$0x1], $0xffff  }
0x131: {  	v24 =	vld.idx.msk [tilespmem:v1+s2+$0x50 ss:$0x1], $0xffff;
	v3 =	vadd.f32 v26, v3  }
0x132: {  	v25 =	vld.idx.msk [tilespmem:v1+s17+$0x1150 ss:$0x1], $0xffff  }
0x133: {  	v15 =	vld.idx.msk [tilespmem:v1+s17+$0x10E0 ss:$0x1], $0xffff;
	v3 =	vadd.f32 v27, v3;
	v6 =	vadd.f32 v37, v6  }
0x134: {  	v29 =	vld [tilespmem:s22+$0x6F40]  }
0x135: {  	s6 =	sor.u32 $0x380, s17;
	v18 =	vld.idx.msk [tilespmem:v1+s17+$0x1400 ss:$0x1], $0xffff;
	v2 =	vadd.f32 v12, v2;
	v3 =	vmax.f32 v3, $0.0e+00;
	v45 =	vadd.f32 v39, v6  }
0x136: {  	v20 =	vld.idx.msk [tilespmem:v1+s6+$0x0 ss:$0x1], $0xffff;
	[tilespmem:s20+$0x8F20] =	vst v3  }
0x137: {  	v4 =	vadd.f32 v25, v24;
	v2 =	vadd.f32 v28, v2;
	v3 =	vld.idx.msk [tilespmem:v1+s0+$0x30 ss:$0x1], $0xffff;
	v5 =	vmax.f32 v45, $0.0e+00  }
0x138: {  	v31 =	vld.idx.msk [tilespmem:v1+s17+$0x11B0 ss:$0x1], $0xffff;
	[tilespmem:s22+$0x8F10] =	vst v5  }
0x139: {  	v4 =	vadd.f32 v13, v4;
	v2 =	vmax.f32 v2, $0.0e+00;
	v49 =	vld.idx.msk [tilespmem:v1+s8+$0x20 ss:$0x1], $0xffff  }
0x13a: {  	[tilespmem:s21+$0x8F10] =	vst v2;
	v50 =	vld.idx.msk [tilespmem:v1+s17+$0x12A0 ss:$0x1], $0xffff  }
0x13b: {  	s29 =	sor.u32 $0x400, s17;
	v2 =	vmax.f32 v4, $0.0e+00;
	v34 =	vld.idx.msk [tilespmem:v1+s3+$0x20 ss:$0x1], $0xffff  }
0x13c: {  	s25 =	sor.u32 s15, s29;
	[tilespmem:s19+$0x8F50] =	vst v2;
	v2 =	vld.idx.msk [tilespmem:v1+s17+$0x1220 ss:$0x1], $0xffff  }
0x13d: {  	s24 =	sor.u32 s15, s6;
	v46 =	vadd.f32 v15, v23;
	v23 =	vadd.f32 v62, v61;
	v61 =	vld [tilespmem:s25+$0x6F10]  }
0x13e: {  	v41 =	vadd.f32 v22, v7;
	v24 =	vld [tilespmem:s24+$0x6F00]  }
0x13f: {  	v26 =	vadd.f32 v63, v23;
	v63 =	vld [tilespmem:s22+$0x6F60];
	v7 =	vadd.f32 v50, v49  }
0x140: {  	v45 =	vld [tilespmem:s23+$0x6F20];
	v3 =	vadd.f32 v31, v3  }
0x141: {  	v35 =	vld.idx.msk [tilespmem:v1+s2+$0x60 ss:$0x1], $0xffff;
	v2 =	vadd.f32 v2, v34;
	v7 =	vadd.f32 v53, v7  }
0x142: {  	v38 =	vld.idx.msk [tilespmem:v1+s17+$0x1160 ss:$0x1], $0xffff  }
0x143: {  	v3 =	vadd.f32 v33, v3;
	v33 =	vld [tilespmem:s23+$0x6F10];
	v2 =	vadd.f32 v36, v2;
	v7 =	vmax.f32 v7, $0.0e+00  }
0x144: {  	v49 =	vld [tilespmem:s25+$0x6F00];
	[tilespmem:s22+$0x8F20] =	vst v7  }
0x145: {  	v2 =	vmax.f32 v2, $0.0e+00;
	v7 =	vld.idx.msk [tilespmem:v1+s8+$0x30 ss:$0x1], $0xffff  }
0x146: {  	[tilespmem:s21+$0x8F20] =	vst v2;
	v59 =	vld.idx.msk [tilespmem:v1+s17+$0x12B0 ss:$0x1], $0xffff  }
0x147: {  	v2 =	vmax.f32 v41, $0.0e+00;
	v44 =	vld.idx.msk [tilespmem:v1+s3+$0x30 ss:$0x1], $0xffff  }
0x148: {  	v3 =	vmax.f32 v3, $0.0e+00;
	[tilespmem:s16+$0x8F50] =	vst v2;
	v2 =	vld.idx.msk [tilespmem:v1+s17+$0x1230 ss:$0x1], $0xffff  }
0x149: {  	v50 =	vld [tilespmem:s21+$0x6F60];
	[tilespmem:s20+$0x8F30] =	vst v3  }
0x14a: {  	v47 =	vadd.f32 v38, v35;
	v3 =	vld.idx.msk [tilespmem:v1+s0+$0x40 ss:$0x1], $0xffff  }
0x14b: {  	v42 =	vld.idx.msk [tilespmem:v1+s17+$0x11C0 ss:$0x1], $0xffff;
	v7 =	vadd.f32 v59, v7  }
0x14c: {  	v38 =	vld [tilespmem:s24+$0x6F10];
	v9 =	vadd.f32 v40, v47  }
0x14d: {  	v40 =	vld [tilespmem:s20+$0x6F60];
	v51 =	vadd.f32 v2, v44;
	v7 =	vadd.f32 v60, v7  }
0x14e: {  	v47 =	vld [tilespmem:s24+$0x6F20];
	v52 =	vmax.f32 v9, $0.0e+00  }
0x14f: {  	[tilespmem:s19+$0x8F60] =	vst v52;
	v52 =	vld [tilespmem:s23+$0x6F30];
	v8 =	vadd.f32 v48, v51;
	v7 =	vmax.f32 v7, $0.0e+00  }
0x150: {  	v4 =	vld.idx.msk [tilespmem:v1+s17+$0x60 ss:$0x1], $0xffff;
	v3 =	vadd.f32 v42, v3;
	[tilespmem:s22+$0x8F30] =	vst v7  }
0x151: {  	v8 =	vmax.f32 v8, $0.0e+00;
	v27 =	vld.idx.msk [tilespmem:v1+s8+$0x40 ss:$0x1], $0xffff  }
0x152: {  	v3 =	vadd.f32 v43, v3;
	[tilespmem:s21+$0x8F30] =	vst v8;
	v28 =	vld.idx.msk [tilespmem:v1+s17+$0x12C0 ss:$0x1], $0xffff  }
0x153: {  	v6 =	vadd.f32 v16, v46;
	v8 =	vld.idx.msk [tilespmem:v1+s3+$0x40 ss:$0x1], $0xffff  }
0x154: {  	v54 =	vmax.f32 v3, $0.0e+00;
	v56 =	vld.idx.msk [tilespmem:v1+s17+$0x1240 ss:$0x1], $0xffff  }
0x155: {  	v6 =	vmax.f32 v6, $0.0e+00;
	v5 =	vld.idx.msk [tilespmem:v1+s17+$0x1060 ss:$0x1], $0xffff;
	[tilespmem:s20+$0x8F40] =	vst v54  }
0x156: {  	[tilespmem:s18+$0x8F60] =	vst v6;
	v6 =	vld.idx.msk [tilespmem:v1+s0+$0x50 ss:$0x1], $0xffff  }
0x157: {  	v55 =	vld.idx.msk [tilespmem:v1+s17+$0x11D0 ss:$0x1], $0xffff;
	v9 =	vadd.f32 v28, v27  }
0x158: {  	v2 =	vld.idx.msk [tilespmem:v1+s1+$0x70 ss:$0x1], $0xffff  }
0x159: {  	v3 =	vld.idx.msk [tilespmem:v1+s2+$0x70 ss:$0x1], $0xffff;
	v7 =	vmax.f32 v26, $0.0e+00;
	v8 =	vadd.f32 v56, v8;
	v9 =	vadd.f32 v29, v9  }
0x15a: {  	v48 =	vld.idx.msk [tilespmem:v1+s29+$0x0 ss:$0x1], $0xffff;
	[tilespmem:s23+$0x8F00] =	vst v7  }
0x15b: {  	v31 =	vld.idx.msk [tilespmem:v1+s12+$0x10 ss:$0x1], $0xffff;
	v8 =	vadd.f32 v58, v8;
	v9 =	vmax.f32 v9, $0.0e+00  }
0x15c: {  	v32 =	vld.idx.msk [tilespmem:v1+s17+$0x1310 ss:$0x1], $0xffff;
	v6 =	vadd.f32 v55, v6;
	[tilespmem:s22+$0x8F40] =	vst v9  }
0x15d: {  	v8 =	vmax.f32 v8, $0.0e+00;
	v9 =	vld.idx.msk [tilespmem:v1+s8+$0x50 ss:$0x1], $0xffff  }
0x15e: {  	v6 =	vadd.f32 v57, v6;
	[tilespmem:s21+$0x8F40] =	vst v8;
	v8 =	vadd.f32 v21, v20;
	v19 =	vld.idx.msk [tilespmem:v1+s17+$0x12D0 ss:$0x1], $0xffff  }
0x15f: {  	v20 =	vld [tilespmem:s22+$0x6F50]  }
0x160: {  	v6 =	vmax.f32 v6, $0.0e+00;
	v22 =	vld.idx.msk [tilespmem:v1+s3+$0x50 ss:$0x1], $0xffff;
	v30 =	vadd.f32 v24, v8  }
0x161: {  	[tilespmem:s20+$0x8F50] =	vst v6;
	v25 =	vld.idx.msk [tilespmem:v1+s17+$0x1250 ss:$0x1], $0xffff  }
0x162: {  	v37 =	vld.idx.msk [tilespmem:v1+s0+$0x60 ss:$0x1], $0xffff;
	v7 =	vmax.f32 v30, $0.0e+00  }
0x163: {  	v39 =	vld.idx.msk [tilespmem:v1+s17+$0x11E0 ss:$0x1], $0xffff;
	[tilespmem:s24+$0x8F00] =	vst v7  }
0x164: {  	s31 =	sor.u32 $0x480, s17;
	v9 =	vadd.f32 v19, v9;
	v35 =	vld.idx.msk [tilespmem:v1+s6+$0x10 ss:$0x1], $0xffff  }
0x165: {  	s26 =	sor.u32 s15, s31;
	v11 =	vadd.f32 v18, v48;
	v36 =	vld.idx.msk [tilespmem:v1+s17+$0x1390 ss:$0x1], $0xffff  }
0x166: {  	v48 =	vld [tilespmem:s26+$0x6F00];
	v34 =	vadd.f32 v25, v22;
	v9 =	vadd.f32 v20, v9  }
0x167: {  	v27 =	vld [tilespmem:s23+$0x6F40];
	v8 =	vadd.f32 v32, v31  }
0x168: {  	v56 =	vld [tilespmem:s24+$0x6F30];
	v7 =	vadd.f32 v17, v34;
	v57 =	vmax.f32 v9, $0.0e+00  }
0x169: {  	v13 =	vadd.f32 v39, v37;
	v39 =	vld [tilespmem:s23+$0x6F50];
	v41 =	vadd.f32 v33, v8;
	[tilespmem:s22+$0x8F50] =	vst v57  }
0x16a: {  	v7 =	vmax.f32 v7, $0.0e+00;
	v6 =	vadd.f32 v36, v35;
	v60 =	vld.idx.msk [tilespmem:v1+s8+$0x60 ss:$0x1], $0xffff  }
0x16b: {  	[tilespmem:s21+$0x8F50] =	vst v7;
	v7 =	vmax.f32 v41, $0.0e+00;
	v62 =	vld.idx.msk [tilespmem:v1+s17+$0x12E0 ss:$0x1], $0xffff  }
0x16c: {  	v42 =	vld.idx.msk [tilespmem:v1+s3+$0x60 ss:$0x1], $0xffff;
	[tilespmem:s23+$0x8F10] =	vst v7;
	v6 =	vadd.f32 v38, v6  }
0x16d: {  	v7 =	vld.idx.msk [tilespmem:v1+s12+$0x20 ss:$0x1], $0xffff  }
0x16e: {  	v44 =	vld.idx.msk [tilespmem:v1+s17+$0x1320 ss:$0x1], $0xffff;
	v6 =	vmax.f32 v6, $0.0e+00  }
0x16f: {  	v43 =	vld.idx.msk [tilespmem:v1+s17+$0x1260 ss:$0x1], $0xffff;
	[tilespmem:s24+$0x8F10] =	vst v6  }
0x170: {  	v6 =	vld.idx.msk [tilespmem:v1+s6+$0x20 ss:$0x1], $0xffff  }
0x171: {  	v46 =	vld.idx.msk [tilespmem:v1+s17+$0x13A0 ss:$0x1], $0xffff  }
0x172: {  	v30 =	vld [tilespmem:s24+$0x6F40]  }
0x173: {  	v22 =	vld [tilespmem:s25+$0x6F40];
	v7 =	vadd.f32 v44, v7  }
0x174: {  	v35 =	vld [tilespmem:s25+$0x6F20]  }
0x175: {  	s10 =	sor.u32 $0x580, s17;
	v29 =	vadd.f32 v62, v60;
	v62 =	vld.idx.msk [tilespmem:v1+s17+$0x1580 ss:$0x1], $0xffff;
	v7 =	vadd.f32 v45, v7  }
0x176: {  	s30 =	sor.u32 s15, s10;
	v8 =	vadd.f32 v43, v42;
	v43 =	vld [tilespmem:s24+$0x6F50];
	v6 =	vadd.f32 v46, v6  }
0x177: {  	v33 =	vadd.f32 v63, v29;
	v63 =	vld [tilespmem:s30+$0x6F00];
	v7 =	vmax.f32 v7, $0.0e+00  }
0x178: {  	v8 =	vadd.f32 v50, v8;
	v50 =	vld.idx.msk [tilespmem:v1+s17+$0x1500 ss:$0x1], $0xffff;
	[tilespmem:s23+$0x8F20] =	vst v7;
	v6 =	vadd.f32 v47, v6  }
0x179: {  	v7 =	vld.idx.msk [tilespmem:v1+s12+$0x30 ss:$0x1], $0xffff  }
0x17a: {  	v53 =	vadd.f32 v49, v11;
	v51 =	vld.idx.msk [tilespmem:v1+s17+$0x1330 ss:$0x1], $0xffff;
	v6 =	vmax.f32 v6, $0.0e+00  }
0x17b: {  	v45 =	vld.idx.msk [tilespmem:v1+s31+$0x0 ss:$0x1], $0xffff;
	[tilespmem:s24+$0x8F20] =	vst v6  }
0x17c: {  	v6 =	vmax.f32 v53, $0.0e+00;
	v54 =	vld.idx.msk [tilespmem:v1+s6+$0x30 ss:$0x1], $0xffff  }
0x17d: {  	v55 =	vld.idx.msk [tilespmem:v1+s17+$0x13B0 ss:$0x1], $0xffff;
	[tilespmem:s25+$0x8F00] =	vst v6  }
0x17e: {  	v58 =	vld.idx.msk [tilespmem:v1+s29+$0x10 ss:$0x1], $0xffff  }
0x17f: {  	v8 =	vmax.f32 v8, $0.0e+00;
	v7 =	vadd.f32 v51, v7;
	v59 =	vld.idx.msk [tilespmem:v1+s17+$0x1410 ss:$0x1], $0xffff  }
0x180: {  	[tilespmem:s21+$0x8F60] =	vst v8;
	v46 =	vld.idx.msk [tilespmem:v1+s17+$0x1480 ss:$0x1], $0xffff  }
0x181: {  	v8 =	vld.idx.msk [tilespmem:v1+s3+$0x70 ss:$0x1], $0xffff;
	v7 =	vadd.f32 v52, v7  }
0x182: {  	v47 =	vld [tilespmem:s25+$0x6F30];
	v11 =	vadd.f32 v55, v54  }
0x183: {  	v7 =	vmax.f32 v7, $0.0e+00;
	v54 =	vld [tilespmem:s23+$0x6F60]  }
0x184: {  	[tilespmem:s23+$0x8F30] =	vst v7;
	v6 =	vadd.f32 v59, v58;
	v58 =	vld [tilespmem:s26+$0x6F10];
	v24 =	vadd.f32 v56, v11  }
0x185: {  	v25 =	vld.idx.msk [tilespmem:v1+s12+$0x40 ss:$0x1], $0xffff  }
0x186: {  	v10 =	vadd.f32 v40, v13;
	v26 =	vld.idx.msk [tilespmem:v1+s17+$0x1340 ss:$0x1], $0xffff;
	v7 =	vmax.f32 v24, $0.0e+00  }
0x187: {  	v6 =	vadd.f32 v61, v6;
	v61 =	vld.idx.msk [tilespmem:v1+s10+$0x0 ss:$0x1], $0xffff;
	[tilespmem:s24+$0x8F30] =	vst v7  }
0x188: {  	v31 =	vmax.f32 v10, $0.0e+00;
	v7 =	vld.idx.msk [tilespmem:v1+s6+$0x40 ss:$0x1], $0xffff  }
0x189: {  	[tilespmem:s20+$0x8F60] =	vst v31;
	v6 =	vmax.f32 v6, $0.0e+00;
	v28 =	vld.idx.msk [tilespmem:v1+s17+$0x13C0 ss:$0x1], $0xffff  }
0x18a: {  	[tilespmem:s25+$0x8F10] =	vst v6;
	v6 =	vld.idx.msk [tilespmem:v1+s0+$0x70 ss:$0x1], $0xffff  }
0x18b: {  	v32 =	vld.idx.msk [tilespmem:v1+s29+$0x20 ss:$0x1], $0xffff  }
0x18c: {  	s0 =	sor.u32 $0x500, s17;
	v34 =	vld.idx.msk [tilespmem:v1+s17+$0x1420 ss:$0x1], $0xffff  }
0x18d: {  	v49 =	vld.idx.msk [tilespmem:v1+s0+$0x0 ss:$0x1], $0xffff  }
0x18e: {  	v9 =	vadd.f32 v26, v25;
	v25 =	vld [tilespmem:s24+$0x6F60]  }
0x18f: {  	s28 =	sor.u32 s15, s0;
	v26 =	vld [tilespmem:s26+$0x6F20]  }
0x190: {  	v52 =	vld [tilespmem:s28+$0x6F00];
	v9 =	vadd.f32 v27, v9  }
0x191: {  	v11 =	vmax.f32 v33, $0.0e+00;
	v60 =	vld [tilespmem:s28+$0x6F10]  }
0x192: {  	[tilespmem:s22+$0x8F60] =	vst v11;
	v15 =	vadd.f32 v62, v61;
	v62 =	vld [tilespmem:s26+$0x6F50];
	v9 =	vmax.f32 v9, $0.0e+00  }
0x193: {  	v12 =	vadd.f32 v28, v7;
	v7 =	vld.idx.msk [tilespmem:v1+s8+$0x70 ss:$0x1], $0xffff;
	[tilespmem:s23+$0x8F40] =	vst v9  }
0x194: {  	v37 =	vld.idx.msk [tilespmem:v1+s12+$0x50 ss:$0x1], $0xffff  }
0x195: {  	v10 =	vadd.f32 v34, v32;
	v36 =	vadd.f32 v30, v12;
	v38 =	vld.idx.msk [tilespmem:v1+s17+$0x1350 ss:$0x1], $0xffff  }
0x196: {  	v12 =	vadd.f32 v46, v45;
	v30 =	vld [tilespmem:s28+$0x6F20]  }
0x197: {  	v40 =	vadd.f32 v35, v10;
	v35 =	vld [tilespmem:s30+$0x6F10];
	v9 =	vmax.f32 v36, $0.0e+00  }
0x198: {  	v12 =	vadd.f32 v48, v12;
	v48 =	vld [tilespmem:s30+$0x6F20];
	[tilespmem:s24+$0x8F40] =	vst v9  }
0x199: {  	v9 =	vmax.f32 v40, $0.0e+00;
	v41 =	vld.idx.msk [tilespmem:v1+s6+$0x50 ss:$0x1], $0xffff  }
0x19a: {  	v42 =	vld.idx.msk [tilespmem:v1+s17+$0x13D0 ss:$0x1], $0xffff;
	[tilespmem:s25+$0x8F20] =	vst v9  }
0x19b: {  	v9 =	vld.idx.msk [tilespmem:v1+s29+$0x30 ss:$0x1], $0xffff  }
0x19c: {  	v12 =	vmax.f32 v12, $0.0e+00;
	v44 =	vld.idx.msk [tilespmem:v1+s17+$0x1430 ss:$0x1], $0xffff;
	v11 =	vadd.f32 v38, v37  }
0x19d: {  	[tilespmem:s26+$0x8F00] =	vst v12;
	v38 =	vld [tilespmem:s25+$0x6F50]  }
0x19e: {  	v12 =	vld.idx.msk [tilespmem:v1+s31+$0x10 ss:$0x1], $0xffff;
	v11 =	vadd.f32 v39, v11  }
0x19f: {  	v56 =	vld.idx.msk [tilespmem:v1+s17+$0x1490 ss:$0x1], $0xffff;
	v10 =	vadd.f32 v42, v41  }
0x1a0: {  	v39 =	vld [tilespmem:s26+$0x6F30];
	v11 =	vmax.f32 v11, $0.0e+00  }
0x1a1: {  	v41 =	vld [tilespmem:s28+$0x6F30];
	[tilespmem:s23+$0x8F50] =	vst v11;
	v11 =	vadd.f32 v50, v49;
	v10 =	vadd.f32 v43, v10  }
0x1a2: {  	v50 =	vld [tilespmem:s26+$0x6F40]  }
0x1a3: {  	v9 =	vadd.f32 v44, v9;
	v51 =	vld.idx.msk [tilespmem:v1+s12+$0x60 ss:$0x1], $0xffff;
	v11 =	vadd.f32 v52, v11;
	v10 =	vmax.f32 v10, $0.0e+00  }
0x1a4: {  	v53 =	vld.idx.msk [tilespmem:v1+s17+$0x1360 ss:$0x1], $0xffff;
	[tilespmem:s24+$0x8F50] =	vst v10  }
0x1a5: {  	v9 =	vadd.f32 v47, v9;
	v11 =	vmax.f32 v11, $0.0e+00;
	v10 =	vld.idx.msk [tilespmem:v1+s6+$0x60 ss:$0x1], $0xffff  }
0x1a6: {  	v55 =	vld.idx.msk [tilespmem:v1+s17+$0x13E0 ss:$0x1], $0xffff;
	[tilespmem:s28+$0x8F00] =	vst v11  }
0x1a7: {  	v9 =	vmax.f32 v9, $0.0e+00;
	v11 =	vld.idx.msk [tilespmem:v1+s0+$0x10 ss:$0x1], $0xffff  }
0x1a8: {  	[tilespmem:s25+$0x8F30] =	vst v9;
	v9 =	vadd.f32 v56, v12;
	v59 =	vld.idx.msk [tilespmem:v1+s17+$0x1510 ss:$0x1], $0xffff  }
0x1a9: {  	v56 =	vld [tilespmem:s30+$0x6F30]  }
0x1aa: {  	v57 =	vld.idx.msk [tilespmem:v1+s29+$0x40 ss:$0x1], $0xffff;
	v9 =	vadd.f32 v58, v9  }
0x1ab: {  	v21 =	vld.idx.msk [tilespmem:v1+s17+$0x1440 ss:$0x1], $0xffff;
	v17 =	vadd.f32 v53, v51  }
0x1ac: {  	v58 =	vld.idx.msk [tilespmem:v1+s17+$0x1600 ss:$0x1], $0xffff;
	v9 =	vmax.f32 v9, $0.0e+00  }
0x1ad: {  	v16 =	vadd.f32 v54, v17;
	v54 =	vld [tilespmem:s28+$0x6F40];
	[tilespmem:s26+$0x8F10] =	vst v9;
	v11 =	vadd.f32 v59, v11  }
0x1ae: {  	v9 =	vld.idx.msk [tilespmem:v1+s31+$0x20 ss:$0x1], $0xffff  }
0x1af: {  	s2 =	sor.u32 $0x600, s17;
	v10 =	vadd.f32 v55, v10;
	v24 =	vld.idx.msk [tilespmem:v1+s17+$0x14A0 ss:$0x1], $0xffff;
	v11 =	vadd.f32 v60, v11  }
0x1b0: {  	v14 =	vadd.f32 v21, v57;
	v57 =	vld.idx.msk [tilespmem:v1+s2+$0x0 ss:$0x1], $0xffff  }
0x1b1: {  	s3 =	sor.u32 s15, s2;
	v27 =	vadd.f32 v63, v15;
	v10 =	vadd.f32 v25, v10;
	v25 =	vld [tilespmem:s28+$0x6F50];
	v11 =	vmax.f32 v11, $0.0e+00  }
0x1b2: {  	v60 =	vld [tilespmem:s3+$0x6F00];
	[tilespmem:s28+$0x8F10] =	vst v11  }
0x1b3: {  	v11 =	vmax.f32 v27, $0.0e+00;
	v28 =	vld.idx.msk [tilespmem:v1+s0+$0x20 ss:$0x1], $0xffff  }
0x1b4: {  	v29 =	vld.idx.msk [tilespmem:v1+s17+$0x1520 ss:$0x1], $0xffff;
	[tilespmem:s30+$0x8F00] =	vst v11  }
0x1b5: {  	v14 =	vadd.f32 v22, v14;
	v10 =	vmax.f32 v10, $0.0e+00;
	v9 =	vadd.f32 v24, v9;
	v32 =	vld.idx.msk [tilespmem:v1+s10+$0x10 ss:$0x1], $0xffff  }
0x1b6: {  	[tilespmem:s24+$0x8F60] =	vst v10;
	v33 =	vld.idx.msk [tilespmem:v1+s17+$0x1590 ss:$0x1], $0xffff  }
0x1b7: {  	v31 =	vmax.f32 v14, $0.0e+00;
	v10 =	vld.idx.msk [tilespmem:v1+s6+$0x70 ss:$0x1], $0xffff;
	v9 =	vadd.f32 v26, v9  }
0x1b8: {  	[tilespmem:s25+$0x8F40] =	vst v31;
	v23 =	vadd.f32 v58, v57;
	v58 =	vld [tilespmem:s3+$0x6F30]  }
0x1b9: {  	v34 =	vld.idx.msk [tilespmem:v1+s29+$0x50 ss:$0x1], $0xffff;
	v9 =	vmax.f32 v9, $0.0e+00;
	v15 =	vadd.f32 v29, v28  }
0x1ba: {  	v36 =	vld.idx.msk [tilespmem:v1+s17+$0x1450 ss:$0x1], $0xffff;
	[tilespmem:s26+$0x8F20] =	vst v9  }
0x1bb: {  	s9 =	sor.u32 $0x780, s17;
	v9 =	vld.idx.msk [tilespmem:v1+s31+$0x30 ss:$0x1], $0xffff;
	v11 =	vadd.f32 v33, v32;
	v12 =	vadd.f32 v30, v15  }
0x1bc: {  	v42 =	vmax.f32 v16, $0.0e+00;
	s6 =	sor.u32 s15, s9;
	v37 =	vld.idx.msk [tilespmem:v1+s17+$0x14B0 ss:$0x1], $0xffff  }
0x1bd: {  	[tilespmem:s23+$0x8F60] =	vst v42;
	v42 =	vld [tilespmem:s6+$0x6F00];
	v11 =	vadd.f32 v35, v11;
	v12 =	vmax.f32 v12, $0.0e+00  }
0x1be: {  	v26 =	vadd.f32 v60, v23;
	v23 =	vld.idx.msk [tilespmem:v1+s17+$0x1680 ss:$0x1], $0xffff;
	[tilespmem:s28+$0x8F20] =	vst v12  }
0x1bf: {  	v11 =	vmax.f32 v11, $0.0e+00;
	v12 =	vld.idx.msk [tilespmem:v1+s0+$0x30 ss:$0x1], $0xffff  }
0x1c0: {  	v40 =	vld.idx.msk [tilespmem:v1+s17+$0x1530 ss:$0x1], $0xffff;
	[tilespmem:s30+$0x8F10] =	vst v11  }
0x1c1: {  	v9 =	vadd.f32 v37, v9;
	v43 =	vld.idx.msk [tilespmem:v1+s10+$0x20 ss:$0x1], $0xffff  }
0x1c2: {  	v46 =	vld.idx.msk [tilespmem:v1+s17+$0x15A0 ss:$0x1], $0xffff  }
0x1c3: {  	v44 =	vadd.f32 v36, v34;
	v30 =	vld [tilespmem:s30+$0x6F40];
	v45 =	vadd.f32 v39, v9  }
0x1c4: {  	v35 =	vld [tilespmem:s3+$0x6F10]  }
0x1c5: {  	s7 =	sor.u32 $0x680, s17;
	v11 =	vadd.f32 v38, v44;
	v9 =	vld.idx.msk [tilespmem:v1+s12+$0x70 ss:$0x1], $0xffff;
	v47 =	vmax.f32 v45, $0.0e+00;
	v12 =	vadd.f32 v40, v12  }
0x1c6: {  	v39 =	vld.idx.msk [tilespmem:v1+s7+$0x0 ss:$0x1], $0xffff;
	[tilespmem:s26+$0x8F30] =	vst v47  }
0x1c7: {  	v11 =	vmax.f32 v11, $0.0e+00;
	v14 =	vld.idx.msk [tilespmem:v1+s31+$0x40 ss:$0x1], $0xffff;
	v16 =	vadd.f32 v46, v43;
	v12 =	vadd.f32 v41, v12  }
0x1c8: {  	[tilespmem:s25+$0x8F50] =	vst v11;
	v49 =	vld.idx.msk [tilespmem:v1+s17+$0x14C0 ss:$0x1], $0xffff  }
0x1c9: {  	s12 =	sor.u32 s15, s7;
	v11 =	vld.idx.msk [tilespmem:v1+s29+$0x60 ss:$0x1], $0xffff;
	v51 =	vadd.f32 v48, v16;
	v12 =	vmax.f32 v12, $0.0e+00  }
0x1ca: {  	v47 =	vld [tilespmem:s12+$0x6F10];
	[tilespmem:s28+$0x8F30] =	vst v12  }
0x1cb: {  	v12 =	vmax.f32 v51, $0.0e+00;
	v52 =	vld.idx.msk [tilespmem:v1+s0+$0x40 ss:$0x1], $0xffff  }
0x1cc: {  	v53 =	vld.idx.msk [tilespmem:v1+s17+$0x1540 ss:$0x1], $0xffff;
	[tilespmem:s30+$0x8F20] =	vst v12  }
0x1cd: {  	v14 =	vadd.f32 v49, v14;
	v12 =	vld.idx.msk [tilespmem:v1+s10+$0x30 ss:$0x1], $0xffff  }
0x1ce: {  	v55 =	vld.idx.msk [tilespmem:v1+s17+$0x15B0 ss:$0x1], $0xffff  }
0x1cf: {  	v40 =	vld.idx.msk [tilespmem:v1+s9+$0x0 ss:$0x1], $0xffff;
	v14 =	vadd.f32 v50, v14  }
0x1d0: {  	s1 =	sor.u32 $0x700, s17;
	v43 =	vld [tilespmem:s30+$0x6F50]  }
0x1d1: {  	s8 =	sor.u32 s15, s1;
	v22 =	vadd.f32 v23, v39;
	v39 =	vld [tilespmem:s6+$0x6F20];
	v14 =	vmax.f32 v14, $0.0e+00;
	v13 =	vadd.f32 v53, v52  }
0x1d2: {  	v51 =	vld [tilespmem:s8+$0x6F10];
	[tilespmem:s26+$0x8F40] =	vst v14  }
0x1d3: {  	v59 =	vld.idx.msk [tilespmem:v1+s31+$0x50 ss:$0x1], $0xffff;
	v12 =	vadd.f32 v55, v12;
	v13 =	vadd.f32 v54, v13  }
0x1d4: {  	v61 =	vld.idx.msk [tilespmem:v1+s17+$0x14D0 ss:$0x1], $0xffff  }
0x1d5: {  	v12 =	vadd.f32 v56, v12;
	v56 =	vld [tilespmem:s6+$0x6F10];
	v13 =	vmax.f32 v13, $0.0e+00  }
0x1d6: {  	[tilespmem:s28+$0x8F40] =	vst v13;
	v13 =	vld.idx.msk [tilespmem:v1+s17+$0x1460 ss:$0x1], $0xffff  }
0x1d7: {  	v63 =	vld.idx.msk [tilespmem:v1+s0+$0x50 ss:$0x1], $0xffff  }
0x1d8: {  	v12 =	vmax.f32 v12, $0.0e+00;
	v24 =	vld.idx.msk [tilespmem:v1+s17+$0x1550 ss:$0x1], $0xffff  }
0x1d9: {  	[tilespmem:s30+$0x8F30] =	vst v12;
	v12 =	vmax.f32 v26, $0.0e+00;
	v26 =	vld.idx.msk [tilespmem:v1+s17+$0x1700 ss:$0x1], $0xffff  }
0x1da: {  	v27 =	vld.idx.msk [tilespmem:v1+s10+$0x40 ss:$0x1], $0xffff  }
0x1db: {  	v29 =	vadd.f32 v61, v59;
	v28 =	vld.idx.msk [tilespmem:v1+s17+$0x15C0 ss:$0x1], $0xffff  }
0x1dc: {  	[tilespmem:s3+$0x8F00] =	vst v12;
	v12 =	vld [tilespmem:s25+$0x6F60]  }
0x1dd: {  	v32 =	vadd.f32 v62, v29;
	v62 =	vld [tilespmem:s12+$0x6F20]  }
0x1de: {  	v31 =	vld.idx.msk [tilespmem:v1+s2+$0x10 ss:$0x1], $0xffff  }
0x1df: {  	v33 =	vld.idx.msk [tilespmem:v1+s17+$0x1610 ss:$0x1], $0xffff;
	v34 =	vmax.f32 v32, $0.0e+00  }
0x1e0: {  	v32 =	vld [tilespmem:s8+$0x6F20];
	[tilespmem:s26+$0x8F50] =	vst v34  }
0x1e1: {  	v16 =	vld.idx.msk [tilespmem:v1+s17+$0x14E0 ss:$0x1], $0xffff  }
0x1e2: {  	v14 =	vadd.f32 v24, v63;
	v24 =	vld [tilespmem:s12+$0x6F00]  }
0x1e3: {  	v15 =	vadd.f32 v28, v27;
	v27 =	vld [tilespmem:s8+$0x6F00]  }
0x1e4: {  	v28 =	vld.idx.msk [tilespmem:v1+s17+$0x1780 ss:$0x1], $0xffff  }
0x1e5: {  	v36 =	vadd.f32 v25, v14;
	v14 =	vld.idx.msk [tilespmem:v1+s31+$0x60 ss:$0x1], $0xffff  }
0x1e6: {  	v25 =	vld.idx.msk [tilespmem:v1+s1+$0x0 ss:$0x1], $0xffff  }
0x1e7: {  	v19 =	vadd.f32 v33, v31;
	v21 =	vadd.f32 v30, v15;
	v15 =	vld [tilespmem:s26+$0x6F60];
	v18 =	vmax.f32 v36, $0.0e+00  }
0x1e8: {  	v30 =	vld [tilespmem:s3+$0x6F20];
	[tilespmem:s28+$0x8F50] =	vst v18  }
0x1e9: {  	v19 =	vadd.f32 v35, v19;
	v17 =	vld.idx.msk [tilespmem:v1+s0+$0x60 ss:$0x1], $0xffff  }
0x1ea: {  	v37 =	vmax.f32 v21, $0.0e+00;
	v18 =	vld.idx.msk [tilespmem:v1+s17+$0x1560 ss:$0x1], $0xffff  }
0x1eb: {  	[tilespmem:s30+$0x8F40] =	vst v37;
	v19 =	vmax.f32 v19, $0.0e+00;
	v23 =	vadd.f32 v28, v40;
	v28 =	vld [tilespmem:s8+$0x6F60]  }
0x1ec: {  	v22 =	vadd.f32 v24, v22;
	v20 =	vld.idx.msk [tilespmem:v1+s10+$0x50 ss:$0x1], $0xffff;
	[tilespmem:s3+$0x8F10] =	vst v19;
	v41 =	vadd.f32 v26, v25  }
0x1ed: {  	v19 =	vld.idx.msk [tilespmem:v1+s2+$0x20 ss:$0x1], $0xffff  }
0x1ee: {  	v22 =	vmax.f32 v22, $0.0e+00;
	v29 =	vld.idx.msk [tilespmem:v1+s17+$0x1620 ss:$0x1], $0xffff;
	v44 =	vadd.f32 v27, v41  }
0x1ef: {  	v38 =	vld.idx.msk [tilespmem:v1+s17+$0x15D0 ss:$0x1], $0xffff;
	[tilespmem:s12+$0x8F00] =	vst v22  }
0x1f0: {  	v45 =	vld.idx.msk [tilespmem:v1+s7+$0x10 ss:$0x1], $0xffff;
	v22 =	vmax.f32 v44, $0.0e+00  }
0x1f1: {  	v48 =	vadd.f32 v42, v23;
	v46 =	vld.idx.msk [tilespmem:v1+s17+$0x1690 ss:$0x1], $0xffff;
	[tilespmem:s8+$0x8F00] =	vst v22  }
0x1f2: {  	v49 =	vld.idx.msk [tilespmem:v1+s1+$0x10 ss:$0x1], $0xffff  }
0x1f3: {  	v22 =	vmax.f32 v48, $0.0e+00;
	v19 =	vadd.f32 v29, v19;
	v50 =	vld.idx.msk [tilespmem:v1+s17+$0x1710 ss:$0x1], $0xffff  }
0x1f4: {  	v26 =	vld [tilespmem:s28+$0x6F60];
	[tilespmem:s6+$0x8F00] =	vst v22  }
0x1f5: {  	v53 =	vld.idx.msk [tilespmem:v1+s9+$0x10 ss:$0x1], $0xffff;
	v19 =	vadd.f32 v30, v19  }
0x1f6: {  	v52 =	vadd.f32 v46, v45;
	v54 =	vld.idx.msk [tilespmem:v1+s17+$0x1790 ss:$0x1], $0xffff  }
0x1f7: {  	v45 =	vld [tilespmem:s12+$0x6F30];
	v19 =	vmax.f32 v19, $0.0e+00  }
0x1f8: {  	v22 =	vadd.f32 v47, v52;
	[tilespmem:s3+$0x8F20] =	vst v19;
	v23 =	vadd.f32 v50, v49;
	v49 =	vld [tilespmem:s8+$0x6F30]  }
0x1f9: {  	v55 =	vld.idx.msk [tilespmem:v1+s2+$0x30 ss:$0x1], $0xffff  }
0x1fa: {  	v22 =	vmax.f32 v22, $0.0e+00;
	v57 =	vld.idx.msk [tilespmem:v1+s17+$0x1630 ss:$0x1], $0xffff  }
0x1fb: {  	[tilespmem:s12+$0x8F10] =	vst v22;
	v19 =	vadd.f32 v54, v53;
	v54 =	vld [tilespmem:s6+$0x6F30];
	v59 =	vadd.f32 v51, v23  }
0x1fc: {  	v60 =	vld.idx.msk [tilespmem:v1+s7+$0x20 ss:$0x1], $0xffff  }
0x1fd: {  	v61 =	vld.idx.msk [tilespmem:v1+s17+$0x16A0 ss:$0x1], $0xffff;
	v22 =	vmax.f32 v59, $0.0e+00  }
0x1fe: {  	v20 =	vadd.f32 v38, v20;
	v19 =	vadd.f32 v56, v19;
	v59 =	vld [tilespmem:s12+$0x6F40];
	[tilespmem:s8+$0x8F10] =	vst v22  }
0x1ff: {  	v22 =	vld.idx.msk [tilespmem:v1+s1+$0x20 ss:$0x1], $0xffff  }
0x200: {  	v33 =	vadd.f32 v43, v20;
	v19 =	vmax.f32 v19, $0.0e+00;
	v63 =	vld.idx.msk [tilespmem:v1+s17+$0x1720 ss:$0x1], $0xffff  }
0x201: {  	v31 =	vadd.f32 v57, v55;
	[tilespmem:s6+$0x8F10] =	vst v19;
	v55 =	vld [tilespmem:s3+$0x6F40]  }
0x202: {  	v19 =	vmax.f32 v33, $0.0e+00;
	v35 =	vld.idx.msk [tilespmem:v1+s9+$0x20 ss:$0x1], $0xffff  }
0x203: {  	v37 =	vld.idx.msk [tilespmem:v1+s17+$0x17A0 ss:$0x1], $0xffff;
	[tilespmem:s30+$0x8F50] =	vst v19  }
0x204: {  	v34 =	vadd.f32 v61, v60;
	v36 =	vadd.f32 v58, v31;
	v24 =	vld.idx.msk [tilespmem:v1+s10+$0x60 ss:$0x1], $0xffff  }
0x205: {  	v27 =	vld.idx.msk [tilespmem:v1+s17+$0x15E0 ss:$0x1], $0xffff  }
0x206: {  	v20 =	vadd.f32 v62, v34;
	v38 =	vmax.f32 v36, $0.0e+00;
	v36 =	vld [tilespmem:s6+$0x6F40]  }
0x207: {  	v21 =	vadd.f32 v63, v22;
	[tilespmem:s3+$0x8F30] =	vst v38;
	v63 =	vld [tilespmem:s8+$0x6F40]  }
0x208: {  	v40 =	vmax.f32 v20, $0.0e+00;
	v41 =	vld.idx.msk [tilespmem:v1+s2+$0x40 ss:$0x1], $0xffff  }
0x209: {  	[tilespmem:s12+$0x8F20] =	vst v40;
	v23 =	vadd.f32 v37, v35;
	v53 =	vld.idx.msk [tilespmem:v1+s17+$0x1640 ss:$0x1], $0xffff;
	v42 =	vadd.f32 v32, v21  }
0x20a: {  	v43 =	vld.idx.msk [tilespmem:v1+s7+$0x30 ss:$0x1], $0xffff  }
0x20b: {  	v44 =	vld.idx.msk [tilespmem:v1+s17+$0x16B0 ss:$0x1], $0xffff;
	v46 =	vadd.f32 v39, v23;
	v19 =	vmax.f32 v42, $0.0e+00  }
0x20c: {  	v38 =	vld [tilespmem:s3+$0x6F50];
	[tilespmem:s8+$0x8F20] =	vst v19  }
0x20d: {  	v19 =	vmax.f32 v46, $0.0e+00;
	v47 =	vld.idx.msk [tilespmem:v1+s1+$0x30 ss:$0x1], $0xffff  }
0x20e: {  	v48 =	vld.idx.msk [tilespmem:v1+s17+$0x1730 ss:$0x1], $0xffff;
	[tilespmem:s6+$0x8F20] =	vst v19;
	v20 =	vadd.f32 v53, v41  }
0x20f: {  	v51 =	vld.idx.msk [tilespmem:v1+s9+$0x30 ss:$0x1], $0xffff  }
0x210: {  	v50 =	vadd.f32 v44, v43;
	v52 =	vld.idx.msk [tilespmem:v1+s17+$0x17B0 ss:$0x1], $0xffff;
	v20 =	vadd.f32 v55, v20  }
0x211: {  	v42 =	vld [tilespmem:s12+$0x6F50]  }
0x212: {  	v19 =	vadd.f32 v45, v50;
	v45 =	vld [tilespmem:s8+$0x6F50];
	v31 =	vmax.f32 v20, $0.0e+00  }
0x213: {  	v22 =	vadd.f32 v48, v47;
	[tilespmem:s3+$0x8F40] =	vst v31;
	v31 =	vld [tilespmem:s3+$0x6F60]  }
0x214: {  	v35 =	vld.idx.msk [tilespmem:v1+s2+$0x50 ss:$0x1], $0xffff  }
0x215: {  	v19 =	vmax.f32 v19, $0.0e+00;
	v21 =	vadd.f32 v52, v51;
	v37 =	vld.idx.msk [tilespmem:v1+s17+$0x1650 ss:$0x1], $0xffff;
	v56 =	vadd.f32 v49, v22  }
0x216: {  	[tilespmem:s12+$0x8F30] =	vst v19;
	v51 =	vld [tilespmem:s6+$0x6F50]  }
0x217: {  	v57 =	vld.idx.msk [tilespmem:v1+s7+$0x40 ss:$0x1], $0xffff;
	v60 =	vadd.f32 v54, v21;
	v19 =	vmax.f32 v56, $0.0e+00  }
0x218: {  	v11 =	vadd.f32 v13, v11;
	v58 =	vld.idx.msk [tilespmem:v1+s17+$0x16C0 ss:$0x1], $0xffff;
	[tilespmem:s8+$0x8F30] =	vst v19  }
0x219: {  	v19 =	vmax.f32 v60, $0.0e+00;
	v61 =	vld.idx.msk [tilespmem:v1+s1+$0x40 ss:$0x1], $0xffff  }
0x21a: {  	v11 =	vadd.f32 v12, v11;
	v62 =	vld.idx.msk [tilespmem:v1+s17+$0x1740 ss:$0x1], $0xffff;
	[tilespmem:s6+$0x8F30] =	vst v19  }
0x21b: {  	v14 =	vadd.f32 v16, v14;
	v33 =	vld.idx.msk [tilespmem:v1+s9+$0x40 ss:$0x1], $0xffff  }
0x21c: {  	v11 =	vmax.f32 v11, $0.0e+00;
	v34 =	vld.idx.msk [tilespmem:v1+s17+$0x17C0 ss:$0x1], $0xffff  }
0x21d: {  	[tilespmem:s25+$0x8F60] =	vst v11;
	v14 =	vadd.f32 v15, v14;
	v49 =	vld [tilespmem:s30+$0x6F60];
	v32 =	vadd.f32 v58, v57  }
0x21e: {  	v22 =	vld.idx.msk [tilespmem:v1+s29+$0x70 ss:$0x1], $0xffff  }
0x21f: {  	v43 =	vadd.f32 v37, v35;
	v35 =	vmax.f32 v14, $0.0e+00;
	v58 =	vld [tilespmem:s12+$0x6F60];
	v20 =	vadd.f32 v59, v32  }
0x220: {  	[tilespmem:s26+$0x8F60] =	vst v35;
	v35 =	vld [tilespmem:s18+$0x6F70];
	v21 =	vadd.f32 v62, v61  }
0x221: {  	v20 =	vmax.f32 v20, $0.0e+00;
	v61 =	vadd.f32 v18, v17;
	v19 =	vadd.f32 v34, v33;
	v33 =	vld [tilespmem:s6+$0x6F60]  }
0x222: {  	[tilespmem:s12+$0x8F40] =	vst v20;
	v34 =	vld [tilespmem:s16+$0x6F60];
	v39 =	vadd.f32 v63, v21  }
0x223: {  	v40 =	vld.idx.msk [tilespmem:v1+s7+$0x50 ss:$0x1], $0xffff;
	v63 =	vadd.f32 v27, v24;
	v12 =	vadd.f32 v26, v61  }
0x224: {  	v46 =	vadd.f32 v38, v43;
	v41 =	vld.idx.msk [tilespmem:v1+s17+$0x16D0 ss:$0x1], $0xffff;
	v20 =	vmax.f32 v39, $0.0e+00  }
0x225: {  	v19 =	vadd.f32 v36, v19;
	v36 =	vadd.f32 v49, v63;
	v38 =	vmax.f32 v12, $0.0e+00;
	v63 =	vld [tilespmem:s20+$0x6F70];
	[tilespmem:s8+$0x8F40] =	vst v20  }
0x226: {  	[tilespmem:s28+$0x8F60] =	vst v38;
	v38 =	vld [tilespmem:s22+$0x6F70]  }
0x227: {  	v20 =	vld.idx.msk [tilespmem:v1+s1+$0x50 ss:$0x1], $0xffff  }
0x228: {  	v4 =	vadd.f32 v5, v4;
	v44 =	vld.idx.msk [tilespmem:v1+s17+$0x1750 ss:$0x1], $0xffff  }
0x229: {  	v19 =	vmax.f32 v19, $0.0e+00;
	v16 =	vld.idx.msk [tilespmem:v1+s0+$0x70 ss:$0x1], $0xffff  }
0x22a: {  	[tilespmem:s6+$0x8F40] =	vst v19;
	v4 =	vadd.f32 v34, v4;
	v34 =	vld [tilespmem:s16+$0x6F70]  }
0x22b: {  	v47 =	vld.idx.msk [tilespmem:v1+s9+$0x50 ss:$0x1], $0xffff  }
0x22c: {  	v19 =	vmax.f32 v46, $0.0e+00;
	v48 =	vld.idx.msk [tilespmem:v1+s17+$0x17D0 ss:$0x1], $0xffff  }
0x22d: {  	v21 =	vadd.f32 v41, v40;
	[tilespmem:s3+$0x8F50] =	vst v19;
	v40 =	vmax.f32 v36, $0.0e+00;
	v36 =	vld [tilespmem:s19+$0x6F70]  }
0x22e: {  	v52 =	vld.idx.msk [tilespmem:v1+s2+$0x60 ss:$0x1], $0xffff  }
0x22f: {  	v53 =	vld.idx.msk [tilespmem:v1+s17+$0x1660 ss:$0x1], $0xffff  }
0x230: {  	[tilespmem:s30+$0x8F60] =	vst v40;
	v4 =	vmax.f32 v4, $0.0e+00;
	v40 =	vld [tilespmem:s24+$0x6F70]  }
0x231: {  	v50 =	vadd.f32 v42, v21;
	v12 =	vld.idx.msk [tilespmem:v1+s10+$0x70 ss:$0x1], $0xffff;
	[tilespmem:s16+$0x8F60] =	vst v4  }
0x232: {  	v4 =	vld.idx.msk [tilespmem:v1+s17+$0x70 ss:$0x1], $0xffff  }
0x233: {  	v49 =	vld.idx.msk [tilespmem:v1+s17+$0x1070 ss:$0x1], $0xffff;
	v19 =	vmax.f32 v50, $0.0e+00  }
0x234: {  	v50 =	vld.idx.msk [tilespmem:v1+s17+$0x10F0 ss:$0x1], $0xffff;
	[tilespmem:s12+$0x8F50] =	vst v19  }
0x235: {  	v56 =	vld.idx.msk [tilespmem:v1+s7+$0x60 ss:$0x1], $0xffff  }
0x236: {  	v20 =	vadd.f32 v44, v20;
	v57 =	vld.idx.msk [tilespmem:v1+s17+$0x16E0 ss:$0x1], $0xffff  }
0x237: {  	v55 =	vadd.f32 v48, v47;
	v32 =	vadd.f32 v53, v52;
	v52 =	vld.idx.msk [tilespmem:v1+s17+$0x11F0 ss:$0x1], $0xffff  }
0x238: {  	v53 =	vld.idx.msk [tilespmem:v1+s17+$0x1270 ss:$0x1], $0xffff  }
0x239: {  	v54 =	vadd.f32 v45, v20;
	v20 =	vadd.f32 v51, v55;
	v51 =	vld.idx.msk [tilespmem:v1+s17+$0x1170 ss:$0x1], $0xffff  }
0x23a: {  	v55 =	vld.idx.msk [tilespmem:v1+s17+$0x1370 ss:$0x1], $0xffff  }
0x23b: {  	v19 =	vmax.f32 v54, $0.0e+00;
	v54 =	vld.idx.msk [tilespmem:v1+s17+$0x12F0 ss:$0x1], $0xffff  }
0x23c: {  	[tilespmem:s8+$0x8F50] =	vst v19;
	v2 =	vadd.f32 v50, v2;
	v50 =	vld [tilespmem:s30+$0x6F70]  }
0x23d: {  	v39 =	vadd.f32 v31, v32;
	v19 =	vld.idx.msk [tilespmem:v1+s1+$0x60 ss:$0x1], $0xffff  }
0x23e: {  	v20 =	vmax.f32 v20, $0.0e+00;
	v59 =	vld.idx.msk [tilespmem:v1+s17+$0x1760 ss:$0x1], $0xffff  }
0x23f: {  	[tilespmem:s6+$0x8F50] =	vst v20;
	v43 =	vmax.f32 v39, $0.0e+00;
	v39 =	vld [tilespmem:s23+$0x6F70]  }
0x240: {  	v60 =	vld.idx.msk [tilespmem:v1+s9+$0x60 ss:$0x1], $0xffff  }
0x241: {  	v62 =	vld.idx.msk [tilespmem:v1+s17+$0x17E0 ss:$0x1], $0xffff  }
0x242: {  	v37 =	vadd.f32 v57, v56;
	v56 =	vld.idx.msk [tilespmem:v1+s17+$0x13F0 ss:$0x1], $0xffff  }
0x243: {  	v57 =	vld.idx.msk [tilespmem:v1+s17+$0x1470 ss:$0x1], $0xffff  }
0x244: {  	[tilespmem:s3+$0x8F60] =	vst v43;
	v43 =	vld [tilespmem:s25+$0x6F70]  }
0x245: {  	v6 =	vadd.f32 v52, v6;
	v52 =	vld [tilespmem:s3+$0x6F70]  }
0x246: {  	v14 =	vld.idx.msk [tilespmem:v1+s2+$0x70 ss:$0x1], $0xffff  }
0x247: {  	v61 =	vld.idx.msk [tilespmem:v1+s17+$0x1670 ss:$0x1], $0xffff  }
0x248: {  	v41 =	vadd.f32 v58, v37;
	v58 =	vld.idx.msk [tilespmem:v1+s17+$0x14F0 ss:$0x1], $0xffff  }
0x249: {  	v4 =	vadd.f32 v49, v4;
	v37 =	vld [tilespmem:s21+$0x6F70]  }
0x24a: {  	v13 =	vadd.f32 v59, v19;
	v19 =	vld.idx.msk [tilespmem:v1+s31+$0x70 ss:$0x1], $0xffff  }
0x24b: {  	v4 =	vadd.f32 v34, v4;
	v3 =	vadd.f32 v51, v3;
	v59 =	vld.idx.msk [tilespmem:v1+s17+$0x1570 ss:$0x1], $0xffff  }
0x24c: {  	v2 =	vadd.f32 v35, v2;
	v45 =	vmax.f32 v41, $0.0e+00;
	v42 =	vadd.f32 v62, v60;
	v60 =	vld.idx.msk [tilespmem:v1+s17+$0x15F0 ss:$0x1], $0xffff  }
0x24d: {  	v4 =	vmax.f32 v4, $0.0e+00;
	v3 =	vadd.f32 v36, v3;
	[tilespmem:s12+$0x8F60] =	vst v45;
	v45 =	vld [tilespmem:s26+$0x6F70]  }
0x24e: {  	[tilespmem:s16+$0x8F70] =	vst v4;
	v2 =	vmax.f32 v2, $0.0e+00;
	v44 =	vadd.f32 v28, v13;
	v11 =	vld.idx.msk [tilespmem:v1+s7+$0x70 ss:$0x1], $0xffff  }
0x24f: {  	v8 =	vadd.f32 v53, v8;
	[tilespmem:s18+$0x8F70] =	vst v2;
	v41 =	vadd.f32 v63, v6;
	v3 =	vmax.f32 v3, $0.0e+00;
	v62 =	vld.idx.msk [tilespmem:v1+s17+$0x16F0 ss:$0x1], $0xffff  }
0x250: {  	[tilespmem:s19+$0x8F70] =	vst v3;
	v46 =	vadd.f32 v33, v42;
	v42 =	vadd.f32 v54, v7;
	v54 =	vld [tilespmem:s12+$0x6F70];
	v47 =	vmax.f32 v44, $0.0e+00  }
0x251: {  	v4 =	vmax.f32 v41, $0.0e+00;
	v2 =	vadd.f32 v37, v8;
	v44 =	vadd.f32 v55, v9;
	[tilespmem:s8+$0x8F60] =	vst v47;
	v47 =	vld [tilespmem:s28+$0x6F70]  }
0x252: {  	[tilespmem:s20+$0x8F70] =	vst v4;
	v48 =	vmax.f32 v46, $0.0e+00;
	v3 =	vadd.f32 v38, v42;
	v46 =	vadd.f32 v56, v10;
	v13 =	vld.idx.msk [tilespmem:v1+s1+$0x70 ss:$0x1], $0xffff  }
0x253: {  	v49 =	vadd.f32 v57, v22;
	v2 =	vmax.f32 v2, $0.0e+00;
	[tilespmem:s6+$0x8F60] =	vst v48;
	v32 =	vld.idx.msk [tilespmem:v1+s17+$0x1770 ss:$0x1], $0xffff;
	v48 =	vadd.f32 v39, v44  }
0x254: {  	v51 =	vadd.f32 v58, v19;
	[tilespmem:s21+$0x8F70] =	vst v2;
	v5 =	vld.idx.msk [tilespmem:v1+s9+$0x70 ss:$0x1], $0xffff;
	v2 =	vadd.f32 v40, v46;
	v3 =	vmax.f32 v3, $0.0e+00  }
0x255: {  	v53 =	vadd.f32 v59, v16;
	v33 =	vld.idx.msk [tilespmem:v1+s17+$0x17F0 ss:$0x1], $0xffff;
	[tilespmem:s22+$0x8F70] =	vst v3;
	v3 =	vadd.f32 v43, v49;
	v4 =	vmax.f32 v48, $0.0e+00  }
0x256: {  	v57 =	vld [tilespmem:s8+$0x6F70];
	v56 =	vadd.f32 v60, v12;
	v55 =	vadd.f32 v45, v51;
	[tilespmem:s23+$0x8F70] =	vst v4;
	v2 =	vmax.f32 v2, $0.0e+00  }
0x257: {  	v58 =	vadd.f32 v61, v14;
	v59 =	vld [tilespmem:s6+$0x6F70];
	[tilespmem:s24+$0x8F70] =	vst v2;
	v2 =	vadd.f32 v47, v53;
	v3 =	vmax.f32 v3, $0.0e+00  }
0x258: {  	v60 =	vadd.f32 v62, v11;
	v4 =	vmax.f32 v55, $0.0e+00;
	[tilespmem:s25+$0x8F70] =	vst v3;
	v3 =	vadd.f32 v50, v56  }
0x259: {  	v61 =	vadd.f32 v52, v58;
	[tilespmem:s26+$0x8F70] =	vst v4;
	v62 =	vadd.f32 v32, v13;
	v2 =	vmax.f32 v2, $0.0e+00  }
0x25a: {  	p4 =	por p3, p3;
	v5 =	vadd.f32 v33, v5;
	[tilespmem:s28+$0x8F70] =	vst v2;
	v2 =	vadd.f32 v54, v60;
	v3 =	vmax.f32 v3, $0.0e+00  }
.Ltmp1:
0x25b: {  	v4 =	vmax.f32 v61, $0.0e+00;
	[tilespmem:s30+$0x8F70] =	vst v3;
	v3 =	vadd.f32 v57, v62;
	(pc) =	sbr.rel @p4 .LBB2_5-.Ltmp1, $4  }
0x25c: {  	[tilespmem:s3+$0x8F70] =	vst v4;
	v63 =	vadd.f32 v59, v5;
	v2 =	vmax.f32 v2, $0.0e+00  }
0x25d: {  	[tilespmem:s12+$0x8F70] =	vst v2;
	v2 =	vmax.f32 v3, $0.0e+00  }
0x25e: {  	[tilespmem:s8+$0x8F70] =	vst v2;
	v2 =	vmax.f32 v63, $0.0e+00  }
0x25f: {  	p3 =	por $0x0, $0x0;
	s17 =	simm.s32 $0x800;
	[tilespmem:s6+$0x8F70] =	vst v2  }
0x260: {  	s0 =	sshll.u32 @!p2 s14, $0x7;
	s1 =	simm.s32 @!p2 $0x20  }
0x261: {  	s2 =	simm.s32 @!p2 $0x8F00;
	s3 =	rddreg [dreg:$0x2];
	s0 =	sadd.s32 @!p2 $0x2D00, s0  }
0x262: {  	[spmem:s3] =	stream.indirect.scatter.add.f32 @!p2 [tilespmem:s2], [sflag:$0x3], $0x80, s0, s1, $0xb8;
	[tilespmem:$0x1E800] =	vst v63  }
0x263: {  	s0 =	sshll.u32 @p1 s14, $0x7  }
0x264: {  	s1 =	simm.s32 @p1 $0x20;
	s2 =	simm.s32 @p1 $0x9F00;
	s0 =	sadd.s32 @p1 $0x2D00, s0  }
0x265: {  	[spmem:s3] =	stream.indirect.scatter.add.f32 @p1 [tilespmem:s2], [sflag:$0x4], $0x80, s0, s1, $0xb8;
	[tilespmem:$0x1E800] =	vst v63  }
0x266: {  	p1 =	sne.s32 s13, $0x140  }
.Ltmp2:
0x267: {  	_ = 	snop;
	(pc) =	sbr.rel @p1 .LBB2_4-.Ltmp2, $1  }
0x268: {  	_ =	sdelay $0x3  }
0x269: {  	s0 =	simm.s32 $0x3  }
0x26a: {  	_ =	swait.ge [sflag:s0], $0x1000  }
0x26b: {  	[sflag:s0] =	ssyncset.done $0x0  }
0x26c: {  	s29 =	simm.s32 $0x4;
	[sflag:s0] =	ssyncadd.s32 $0xFFFFF000  }
0x26d: {  	_ =	swait.ge [sflag:s29], $0x1000  }
0x26e: {  	[sflag:s29] =	ssyncset.done $0x0  }
0x26f: {  	[sflag:s29] =	ssyncadd.s32 $0xFFFFF000  }
0x270: {  	s30 =	stileid.u32;
	[bflag:$0x0] =	sbarrier.arrive $0xFFFF  }
0x271: {  	s3 =	simm.s32 $0x5;
	s0 =	sshll.u32 s30, $0x6;
	s10 =	rddreg [dreg:$0x5]  }
0x272: {  	s0 =	sor.u32 $0x1C05, s0;
	s2 =	rddreg [dreg:$0xa];
	s1 =	sshrl.u32 s10, $0x3  }
0x273: {  	[hbm:s2], [sflag:s0] =	dma.local [spmem:s1], $0x2700  }
0x274: {  	_ =	swait.ge [sflag:s3], $0x2700  }
0x275: {  	[sflag:s3] =	ssyncset.done $0x0;
	s12 =	rddreg [dreg:$0x7]  }
0x276: {  	s2 =	rddreg [dreg:$0xb];
	[sflag:s3] =	ssyncadd.s32 $0xFFFFD900;
	s1 =	sshrl.u32 @!p0 s12, $0x3  }
0x277: {  	[hbm:s2], [sflag:s0] =	dma.local @!p0 [spmem:s1], $0x100  }
0x278: {  	s0 =	simm.s32 @!p0 $0x5  }
0x279: {  	_ =	swait.ge @!p0 [sflag:s0], $0x100  }
0x27a: {  	s13 =	rddreg [dreg:$0x4]  }
0x27b: {  	s31 =	rddreg [dreg:$0xc];
	s13 =	sadd.s32 $0x1, s13  }
0x27c: {  	p1 =	sne.s32 s13, s31  }
.Ltmp3:
0x27d: {  	_ = 	snop;
	(pc) =	sbr.rel @p1 .LBB2_1-.Ltmp3, $3  }
0x27e: {  	_ =	sdelay $0x1  }
0x27f: {  	[sflag:s0] =	ssyncset.done @!p0 $0x0  }
0x280: {  	[sflag:s0] =	ssyncadd.s32 @!p0 $0xFFFFFF00  }
0x281: {  	_ =	sfence.sel $0x180000  }
0x282: {  	[bflag:$0x0] =	sbarrier.arrive $0xFFFF  }
0x283: {  	_ =	strace $0x90000047  }
0x284: {  	s0 =	stileid.u32;
	[bflag:$0x2] =	sbarrier.arrive $0xFFFF  }
0x285: {  	p0 =	sne.s32 s0, $0x0;
	s0 =	rddreg [dreg:$0x3]  }
0x286: {  	s0 =	sadd.s32 @!p0 $0x100000, s0  }
0x287: {  	[sflag:s0] =	ssyncadd.tile.s32 @!p0 $0x1;
	_ =	shalt  }
.Lfunc_end2:
_tile_overlayer_lowered:
.L_overlay_start_2:
0x288: {  	(tag) =	ssettag $0x2  }
0x289: {  	s0 =	rddreg [dreg:$0x0];
	s2 =	stileid.u32  }
0x28a: {  	s1 =	rddreg [dreg:$0x1];
	p0 =	sne.s32 s2, $0x0  }
0x28b: {  	s3 =	rddreg [dreg:$0x2];
	[bflag:$0x3] =	sbarrier.arrive $0xFFFF;
	s2 =	simm.s32 @!p0 $0x1C05  }
0x28c: {  	[timem:s3], [sflag:s2] =	dma.local @!p0 [hbm:s0], s1  }
0x28d: {  	s0 =	simm.s32 @!p0 $0x5  }
0x28e: {  	_ =	swait.ge @!p0 [sflag:s0], s1  }
0x28f: {  	s1 =	ssub.s32 @!p0 $0x0, s1;
	[sflag:s0] =	ssyncset.done @!p0 $0x0  }
0x290: {  	[sflag:s0] =	ssyncadd.s32 @!p0 s1  }
0x291: {  	[bflag:$0x3] =	sbarrier.arrive $0xFFFF  }
0x292: {  	_ =	shalt  }

</sc_bundles>
